<compile_context>
chip_gen: v7x
topology: tpu7x:2x2x1
jax: 0.10.2.dev20260603
libtpu: 0.0.44.dev20260713+nightly
codegen_flags: <defaults>
</compile_context>

<pallas_src>
import functools

import jax
import jax.numpy as jnp
from jax import lax
from jax.experimental import pallas as pl
from jax.experimental.pallas import tpu as pltpu
from jax.experimental.pallas import tpu_sc as plsc

VOCAB = 8192
NC = 2
NS = 16
NW = NC * NS
K = 4
NBUF = 3
LOOKAHEAD = 2


@functools.partial(jax.jit, static_argnames=())
def kernel(x, table):
    b, s = x.shape
    total = b * s
    per_w = total // NW
    nchunk = per_w // K
    idx3 = x.reshape(NW, nchunk, K)

    mesh = plsc.VectorSubcoreMesh(
        core_axis_name="c", subcore_axis_name="s",
        num_cores=NC, num_subcores=NS,
    )

    @functools.partial(
        pl.kernel,
        mesh=mesh,
        out_type=jax.ShapeDtypeStruct((total, VOCAB), jnp.float32),
        scratch_types=[
            pltpu.VMEM((nchunk, K), jnp.int32),
            pltpu.VMEM((NBUF, K, VOCAB), jnp.float32),
            pltpu.SemaphoreType.DMA((NBUF,)),
            pltpu.SemaphoreType.DMA((NBUF,)),
        ],
    )
    def gather_kernel(idx_hbm, table_hbm, out_hbm, idx_v, buf_v, gsem, ssem):
        wid = lax.axis_index("s") * NC + lax.axis_index("c")
        base = wid * per_w
        pltpu.sync_copy(idx_hbm.at[wid], idx_v)

        def g_copy(c, bslot):
            return pltpu.make_async_copy(
                table_hbm.at[idx_v.at[c]], buf_v.at[bslot], gsem.at[bslot])

        def s_copy(c, bslot):
            return pltpu.make_async_copy(
                buf_v.at[bslot], out_hbm.at[pl.ds(base + c * K, K)],
                ssem.at[bslot])

        for c in range(LOOKAHEAD):
            g_copy(c, c % NBUF).start()

        nc_main = (nchunk // NBUF) * NBUF
        if nc_main == nchunk:
            nc_main -= NBUF

        def step(c, j):
            g_copy(c, j).wait()
            s_copy(c, j).start()
            nxt = c + LOOKAHEAD
            jn = (j + LOOKAHEAD) % NBUF

            def prefetch():
                @pl.when(nxt >= NBUF)
                def _():
                    s_copy(nxt - NBUF, jn).wait()
                g_copy(nxt, jn).start()

            if isinstance(c, int):
                if nxt < nchunk:
                    prefetch()
            else:
                pl.when(nxt < nchunk)(prefetch)

        @pl.loop(0, nc_main, step=NBUF)
        def _(c0):
            for j in range(NBUF):
                step(c0 + j, j)

        for c in range(nc_main, nchunk):
            step(c, c % NBUF)
        for c in range(nchunk - NBUF, nchunk):
            s_copy(c, c % NBUF).wait()

    out = gather_kernel(idx3, table)
    return out.reshape(b, s, VOCAB)

# --- scband reference (transcript-rebuilt; emitter-appended) ---
"""Pipeline reference for scband-bigram-model-10256381903702 (READ-ONLY COPY).

The authoritative reference and input builder live on the scoring server;
editing this copy changes nothing except your own understanding.
"""

import jax, jax.numpy as jnp
import numpy as np

VOCAB = 8192
BATCH = 32
SEQ = 512


def setup_inputs(seed: int = 0) -> dict:
    key = jax.random.key(seed)
    k1, k2 = jax.random.split(key)
    x = jax.random.randint(k1, (BATCH, SEQ), 0, VOCAB, dtype=jnp.int64 if jax.config.jax_enable_x64 else jnp.int32).astype(jnp.int32)
    # Embedding table: nn.Embedding(vocab_size, vocab_size) default init ~ N(0,1)
    table = jax.random.normal(k2, (VOCAB, VOCAB), dtype=jnp.float32)
    return {"x": x, "table": table}


def reference(x, table):
    # logits = self.embedding(x)  -> row gather from [vocab, vocab] table
    logits = jnp.take(table, x, axis=0)
    return logits

if __name__ == "__main__":
    import jax
    _d = setup_inputs()
    print(jax.jit(kernel)(*tuple(_d.values())))

</pallas_src>

<mosaic_0001>
#map = affine_map<(d0, d1) -> (0, 0, 0)>
#map1 = affine_map<(d0, d1) -> (0, 0)>
module attributes {stable_mosaic.version = 14 : i64} {
  func.func @gather_kernel(%arg0: i32, %arg1: i32, %arg2: memref<32x128x4xi32, #tpu.memory_space<hbm>>, %arg3: memref<8192x8192xf32, #tpu.memory_space<hbm>>, %arg4: memref<16384x8192xf32, #tpu.memory_space<hbm>>, %arg5: memref<128x4xi32, #tpu.memory_space<vmem>>, %arg6: memref<3x4x8192xf32, #tpu.memory_space<vmem>>, %arg7: memref<3x!tpu.dma_semaphore, #tpu.memory_space<semaphore_mem>>, %arg8: memref<3x!tpu.dma_semaphore, #tpu.memory_space<semaphore_mem>>) attributes {dimension_semantics = [#tpu.dimension_semantics<core_parallel>, #tpu.dimension_semantics<subcore_parallel>], iteration_bounds = array<i64: 2, 16>, scalar_prefetch = 0 : i64, scratch_operands = 4 : i64, tpu.core_type = #tpu.core_type<sc_vector_subcore>, window_params = [{transform_indices = #map}, {transform_indices = #map1}, {transform_indices = #map1}]} {
    %mul3A = arith.constant 2 : i32
    %mul3A_0 = arith.muli %arg1, %mul3A : i32
    %add3A = arith.addi %mul3A_0, %arg0 : i32
    %mul3A_1 = arith.constant 512 : i32
    %mul3A_2 = arith.muli %add3A, %mul3A_1 : i32
    "tpu.region"() ({
      %run_scoped3A = tpu.sem_alloc : memref<!tpu.dma_semaphore, #tpu.memory_space<semaphore_mem>>
      %dma_start3A_155 = arith.constant 0 : i32
      %dma_start3A_156 = arith.constant 0 : i32
      %dma_start3A_157 = tpu.memref_slice %arg2[%add3A, %dma_start3A_155, %dma_start3A_156] : memref<32x128x4xi32, #tpu.memory_space<hbm>> -> memref<1x128x4xi32, #tpu.memory_space<hbm>>
      %dma_start3A_158 = tpu.memref_squeeze %dma_start3A_157 : memref<1x128x4xi32, #tpu.memory_space<hbm>> -> memref<128x4xi32, #tpu.memory_space<hbm>>
      %dma_start3A_159 = arith.constant 0 : i32
      %dma_start3A_160 = arith.constant 0 : i32
      %dma_start3A_161 = tpu.memref_slice %arg2[%add3A, %dma_start3A_159, %dma_start3A_160] : memref<32x128x4xi32, #tpu.memory_space<hbm>> -> memref<1x128x4xi32, #tpu.memory_space<hbm>>
      %dma_start3A_162 = tpu.memref_squeeze %dma_start3A_161 : memref<1x128x4xi32, #tpu.memory_space<hbm>> -> memref<128x4xi32, #tpu.memory_space<hbm>>
      tpu.enqueue_dma source(%dma_start3A_162 : memref<128x4xi32, #tpu.memory_space<hbm>>) target(%arg5 : memref<128x4xi32, #tpu.memory_space<vmem>>) target_semaphore(%run_scoped3A : memref<!tpu.dma_semaphore, #tpu.memory_space<semaphore_mem>>)
      %dma_wait3A_163 = arith.constant 0 : i32
      %dma_wait3A_164 = arith.constant 0 : i32
      %dma_wait3A_165 = tpu.memref_slice %arg2[%add3A, %dma_wait3A_163, %dma_wait3A_164] : memref<32x128x4xi32, #tpu.memory_space<hbm>> -> memref<1x128x4xi32, #tpu.memory_space<hbm>>
      %dma_wait3A_166 = tpu.memref_squeeze %dma_wait3A_165 : memref<1x128x4xi32, #tpu.memory_space<hbm>> -> memref<128x4xi32, #tpu.memory_space<hbm>>
      %dma_wait3A_167 = arith.constant 0 : i32
      %dma_wait3A_168 = arith.constant 0 : i32
      %dma_wait3A_169 = tpu.memref_slice %arg2[%add3A, %dma_wait3A_167, %dma_wait3A_168] : memref<32x128x4xi32, #tpu.memory_space<hbm>> -> memref<1x128x4xi32, #tpu.memory_space<hbm>>
      %dma_wait3A_170 = tpu.memref_squeeze %dma_wait3A_169 : memref<1x128x4xi32, #tpu.memory_space<hbm>> -> memref<128x4xi32, #tpu.memory_space<hbm>>
      tpu.wait_dma2 semaphore(%run_scoped3A : memref<!tpu.dma_semaphore, #tpu.memory_space<semaphore_mem>>) src(%dma_wait3A_170 : memref<128x4xi32, #tpu.memory_space<hbm>>) dst(%arg5 : memref<128x4xi32, #tpu.memory_space<vmem>>)
      tpu.yield
    }) : () -> ()
    %dma_start3A = arith.constant 0 : i32
    %dma_start3A_3 = arith.constant 0 : i32
    %dma_start3A_4 = arith.constant 0 : i32
    %dma_start3A_5 = arith.constant 0 : i32
    %dma_start3A_6 = arith.constant 0 : i32
    %dma_start3A_7 = tpu.memref_slice %arg6[%dma_start3A_3, %dma_start3A_5, %dma_start3A_6] : memref<3x4x8192xf32, #tpu.memory_space<vmem>> -> memref<1x4x8192xf32, #tpu.memory_space<vmem>>
    %dma_start3A_8 = tpu.memref_squeeze %dma_start3A_7 : memref<1x4x8192xf32, #tpu.memory_space<vmem>> -> memref<4x8192xf32, #tpu.memory_space<vmem>>
    %dma_start3A_9 = arith.constant 0 : i32
    %dma_start3A_10 = tpu.memref_slice %arg5[%dma_start3A, %dma_start3A_9] : memref<128x4xi32, #tpu.memory_space<vmem>> -> memref<1x4xi32, #tpu.memory_space<vmem>>
    %dma_start3A_11 = tpu.memref_squeeze %dma_start3A_10 : memref<1x4xi32, #tpu.memory_space<vmem>> -> memref<4xi32, #tpu.memory_space<vmem>>
    %dma_start3A_12 = arith.constant 0 : i32
    %dma_start3A_13 = arith.constant 0 : i32
    %dma_start3A_14 = tpu.memref_slice %arg3[%dma_start3A_12, %dma_start3A_13] : memref<8192x8192xf32, #tpu.memory_space<hbm>> -> memref<8192x8192xf32, #tpu.memory_space<hbm>>
    %dma_start3A_15 = tpu.memref_slice %arg7[%dma_start3A_4] : memref<3x!tpu.dma_semaphore, #tpu.memory_space<semaphore_mem>> -> memref<1x!tpu.dma_semaphore, #tpu.memory_space<semaphore_mem>>
    %dma_start3A_16 = tpu.memref_squeeze %dma_start3A_15 : memref<1x!tpu.dma_semaphore, #tpu.memory_space<semaphore_mem>> -> memref<!tpu.dma_semaphore, #tpu.memory_space<semaphore_mem>>
    tpu.enqueue_indirect_dma source(%dma_start3A_14 : memref<8192x8192xf32, #tpu.memory_space<hbm>>) target(%dma_start3A_8 : memref<4x8192xf32, #tpu.memory_space<vmem>>) offsets(%dma_start3A_11 : memref<4xi32, #tpu.memory_space<vmem>>) semaphore(%dma_start3A_16 : memref<!tpu.dma_semaphore, #tpu.memory_space<semaphore_mem>>)
    %dma_start3A_17 = arith.constant 1 : i32
    %dma_start3A_18 = arith.constant 1 : i32
    %dma_start3A_19 = arith.constant 1 : i32
    %dma_start3A_20 = arith.constant 0 : i32
    %dma_start3A_21 = arith.constant 0 : i32
    %dma_start3A_22 = tpu.memref_slice %arg6[%dma_start3A_18, %dma_start3A_20, %dma_start3A_21] : memref<3x4x8192xf32, #tpu.memory_space<vmem>> -> memref<1x4x8192xf32, #tpu.memory_space<vmem>>
    %dma_start3A_23 = tpu.memref_squeeze %dma_start3A_22 : memref<1x4x8192xf32, #tpu.memory_space<vmem>> -> memref<4x8192xf32, #tpu.memory_space<vmem>>
    %dma_start3A_24 = arith.constant 0 : i32
    %dma_start3A_25 = tpu.memref_slice %arg5[%dma_start3A_17, %dma_start3A_24] : memref<128x4xi32, #tpu.memory_space<vmem>> -> memref<1x4xi32, #tpu.memory_space<vmem>>
    %dma_start3A_26 = tpu.memref_squeeze %dma_start3A_25 : memref<1x4xi32, #tpu.memory_space<vmem>> -> memref<4xi32, #tpu.memory_space<vmem>>
    %dma_start3A_27 = arith.constant 0 : i32
    %dma_start3A_28 = arith.constant 0 : i32
    %dma_start3A_29 = tpu.memref_slice %arg3[%dma_start3A_27, %dma_start3A_28] : memref<8192x8192xf32, #tpu.memory_space<hbm>> -> memref<8192x8192xf32, #tpu.memory_space<hbm>>
    %dma_start3A_30 = tpu.memref_slice %arg7[%dma_start3A_19] : memref<3x!tpu.dma_semaphore, #tpu.memory_space<semaphore_mem>> -> memref<1x!tpu.dma_semaphore, #tpu.memory_space<semaphore_mem>>
    %dma_start3A_31 = tpu.memref_squeeze %dma_start3A_30 : memref<1x!tpu.dma_semaphore, #tpu.memory_space<semaphore_mem>> -> memref<!tpu.dma_semaphore, #tpu.memory_space<semaphore_mem>>
    tpu.enqueue_indirect_dma source(%dma_start3A_29 : memref<8192x8192xf32, #tpu.memory_space<hbm>>) target(%dma_start3A_23 : memref<4x8192xf32, #tpu.memory_space<vmem>>) offsets(%dma_start3A_26 : memref<4xi32, #tpu.memory_space<vmem>>) semaphore(%dma_start3A_31 : memref<!tpu.dma_semaphore, #tpu.memory_space<semaphore_mem>>)
    %scan3A = arith.constant 0 : i32
    %scan3A_32 = arith.constant 42 : i32
    %scan3A_33 = arith.addi %scan3A, %scan3A_32 : i32
    %scan3A_34 = arith.constant 1 : i32
    scf.for %scan3A_155 = %scan3A to %scan3A_33 step %scan3A_34  : i32 {
      %mul3A_156 = arith.constant 3 : i32
      %mul3A_157 = arith.muli %scan3A_155, %mul3A_156 : i32
      %add3A_158 = arith.constant 0 : i32
      %add3A_159 = arith.addi %add3A_158, %mul3A_157 : i32
      %add3A_160 = arith.constant 0 : i32
      %add3A_161 = arith.addi %add3A_159, %add3A_160 : i32
      %dma_wait3A_162 = arith.constant 0 : i32
      %dma_wait3A_163 = arith.constant 0 : i32
      %dma_wait3A_164 = arith.constant 0 : i32
      %dma_wait3A_165 = arith.constant 0 : i32
      %dma_wait3A_166 = tpu.memref_slice %arg6[%dma_wait3A_162, %dma_wait3A_164, %dma_wait3A_165] : memref<3x4x8192xf32, #tpu.memory_space<vmem>> -> memref<1x4x8192xf32, #tpu.memory_space<vmem>>
      %dma_wait3A_167 = tpu.memref_squeeze %dma_wait3A_166 : memref<1x4x8192xf32, #tpu.memory_space<vmem>> -> memref<4x8192xf32, #tpu.memory_space<vmem>>
      %dma_wait3A_168 = arith.constant 0 : i32
      %dma_wait3A_169 = tpu.memref_slice %arg5[%add3A_161, %dma_wait3A_168] : memref<128x4xi32, #tpu.memory_space<vmem>> -> memref<1x4xi32, #tpu.memory_space<vmem>>
      %dma_wait3A_170 = tpu.memref_squeeze %dma_wait3A_169 : memref<1x4xi32, #tpu.memory_space<vmem>> -> memref<4xi32, #tpu.memory_space<vmem>>
      %dma_wait3A_171 = arith.constant 0 : i32
      %dma_wait3A_172 = arith.constant 0 : i32
      %dma_wait3A_173 = tpu.memref_slice %arg3[%dma_wait3A_171, %dma_wait3A_172] : memref<8192x8192xf32, #tpu.memory_space<hbm>> -> memref<8192x8192xf32, #tpu.memory_space<hbm>>
      %dma_wait3A_174 = tpu.memref_slice %arg7[%dma_wait3A_163] : memref<3x!tpu.dma_semaphore, #tpu.memory_space<semaphore_mem>> -> memref<1x!tpu.dma_semaphore, #tpu.memory_space<semaphore_mem>>
      %dma_wait3A_175 = tpu.memref_squeeze %dma_wait3A_174 : memref<1x!tpu.dma_semaphore, #tpu.memory_space<semaphore_mem>> -> memref<!tpu.dma_semaphore, #tpu.memory_space<semaphore_mem>>
      tpu.wait_indirect_dma semaphore(%dma_wait3A_175 : memref<!tpu.dma_semaphore, #tpu.memory_space<semaphore_mem>>) src(%dma_wait3A_173 : memref<8192x8192xf32, #tpu.memory_space<hbm>>) dst(%dma_wait3A_167 : memref<4x8192xf32, #tpu.memory_space<vmem>>)
      %mul3A_176 = arith.constant 4 : i32
      %mul3A_177 = arith.muli %add3A_161, %mul3A_176 : i32
      %add3A_178 = arith.addi %mul3A_2, %mul3A_177 : i32
      %dma_start3A_179 = arith.constant 0 : i32
      %dma_start3A_180 = arith.constant 0 : i32
      %dma_start3A_181 = arith.constant 0 : i32
      %dma_start3A_182 = arith.constant 0 : i32
      %dma_start3A_183 = tpu.memref_slice %arg6[%dma_start3A_179, %dma_start3A_181, %dma_start3A_182] : memref<3x4x8192xf32, #tpu.memory_space<vmem>> -> memref<1x4x8192xf32, #tpu.memory_space<vmem>>
      %dma_start3A_184 = tpu.memref_squeeze %dma_start3A_183 : memref<1x4x8192xf32, #tpu.memory_space<vmem>> -> memref<4x8192xf32, #tpu.memory_space<vmem>>
      %dma_start3A_185 = arith.constant 0 : i32
      %dma_start3A_186 = tpu.memref_slice %arg4[%add3A_178, %dma_start3A_185] : memref<16384x8192xf32, #tpu.memory_space<hbm>> -> memref<4x8192xf32, #tpu.memory_space<hbm>>
      %dma_start3A_187 = tpu.memref_slice %arg8[%dma_start3A_180] : memref<3x!tpu.dma_semaphore, #tpu.memory_space<semaphore_mem>> -> memref<1x!tpu.dma_semaphore, #tpu.memory_space<semaphore_mem>>
      %dma_start3A_188 = tpu.memref_squeeze %dma_start3A_187 : memref<1x!tpu.dma_semaphore, #tpu.memory_space<semaphore_mem>> -> memref<!tpu.dma_semaphore, #tpu.memory_space<semaphore_mem>>
      %dma_start3A_189 = arith.constant 0 : i32
      %dma_start3A_190 = tpu.memref_slice %arg4[%add3A_178, %dma_start3A_189] : memref<16384x8192xf32, #tpu.memory_space<hbm>> -> memref<4x8192xf32, #tpu.memory_space<hbm>>
      %dma_start3A_191 = arith.constant 0 : i32
      %dma_start3A_192 = arith.constant 0 : i32
      %dma_start3A_193 = tpu.memref_slice %arg6[%dma_start3A_179, %dma_start3A_191, %dma_start3A_192] : memref<3x4x8192xf32, #tpu.memory_space<vmem>> -> memref<1x4x8192xf32, #tpu.memory_space<vmem>>
      %dma_start3A_194 = tpu.memref_squeeze %dma_start3A_193 : memref<1x4x8192xf32, #tpu.memory_space<vmem>> -> memref<4x8192xf32, #tpu.memory_space<vmem>>
      tpu.enqueue_dma source(%dma_start3A_194 : memref<4x8192xf32, #tpu.memory_space<vmem>>) target(%dma_start3A_190 : memref<4x8192xf32, #tpu.memory_space<hbm>>) target_semaphore(%dma_start3A_188 : memref<!tpu.dma_semaphore, #tpu.memory_space<semaphore_mem>>)
      %add3A_195 = arith.constant 2 : i32
      %add3A_196 = arith.addi %add3A_161, %add3A_195 : i32
      %lt3A = arith.constant 128 : i32
      %lt3A_197 = arith.cmpi slt, %add3A_196, %lt3A : i32
      %convert_element_type3A = arith.extui %lt3A_197 : i1 to i32
      %cond3A = arith.constant 0 : i32
      %cond3A_198 = arith.cmpi ne, %convert_element_type3A, %cond3A : i32
      scf.if %cond3A_198 {
        %ge3A = arith.constant 3 : i32
        %ge3A_283 = arith.cmpi sge, %add3A_196, %ge3A : i32
        %convert_element_type3A_284 = arith.extui %ge3A_283 : i1 to i32
        %cond3A_285 = arith.constant 0 : i32
        %cond3A_286 = arith.cmpi ne, %convert_element_type3A_284, %cond3A_285 : i32
        scf.if %cond3A_286 {
          %sub3A = arith.constant 3 : i32
          %sub3A_301 = arith.subi %add3A_196, %sub3A : i32
          %mul3A_302 = arith.constant 4 : i32
          %mul3A_303 = arith.muli %sub3A_301, %mul3A_302 : i32
          %add3A_304 = arith.addi %mul3A_2, %mul3A_303 : i32
          %dma_wait3A_305 = arith.constant 2 : i32
          %dma_wait3A_306 = arith.constant 2 : i32
          %dma_wait3A_307 = arith.constant 0 : i32
          %dma_wait3A_308 = arith.constant 0 : i32
          %dma_wait3A_309 = tpu.memref_slice %arg6[%dma_wait3A_305, %dma_wait3A_307, %dma_wait3A_308] : memref<3x4x8192xf32, #tpu.memory_space<vmem>> -> memref<1x4x8192xf32, #tpu.memory_space<vmem>>
          %dma_wait3A_310 = tpu.memref_squeeze %dma_wait3A_309 : memref<1x4x8192xf32, #tpu.memory_space<vmem>> -> memref<4x8192xf32, #tpu.memory_space<vmem>>
          %dma_wait3A_311 = arith.constant 0 : i32
          %dma_wait3A_312 = tpu.memref_slice %arg4[%add3A_304, %dma_wait3A_311] : memref<16384x8192xf32, #tpu.memory_space<hbm>> -> memref<4x8192xf32, #tpu.memory_space<hbm>>
          %dma_wait3A_313 = tpu.memref_slice %arg8[%dma_wait3A_306] : memref<3x!tpu.dma_semaphore, #tpu.memory_space<semaphore_mem>> -> memref<1x!tpu.dma_semaphore, #tpu.memory_space<semaphore_mem>>
          %dma_wait3A_314 = tpu.memref_squeeze %dma_wait3A_313 : memref<1x!tpu.dma_semaphore, #tpu.memory_space<semaphore_mem>> -> memref<!tpu.dma_semaphore, #tpu.memory_space<semaphore_mem>>
          %dma_wait3A_315 = arith.constant 0 : i32
          %dma_wait3A_316 = tpu.memref_slice %arg4[%add3A_304, %dma_wait3A_315] : memref<16384x8192xf32, #tpu.memory_space<hbm>> -> memref<4x8192xf32, #tpu.memory_space<hbm>>
          %dma_wait3A_317 = arith.constant 0 : i32
          %dma_wait3A_318 = arith.constant 0 : i32
          %dma_wait3A_319 = tpu.memref_slice %arg6[%dma_wait3A_305, %dma_wait3A_317, %dma_wait3A_318] : memref<3x4x8192xf32, #tpu.memory_space<vmem>> -> memref<1x4x8192xf32, #tpu.memory_space<vmem>>
          %dma_wait3A_320 = tpu.memref_squeeze %dma_wait3A_319 : memref<1x4x8192xf32, #tpu.memory_space<vmem>> -> memref<4x8192xf32, #tpu.memory_space<vmem>>
          tpu.wait_dma2 semaphore(%dma_wait3A_314 : memref<!tpu.dma_semaphore, #tpu.memory_space<semaphore_mem>>) src(%dma_wait3A_320 : memref<4x8192xf32, #tpu.memory_space<vmem>>) dst(%dma_wait3A_316 : memref<4x8192xf32, #tpu.memory_space<hbm>>)
        } else {
        }
        %dma_start3A_287 = arith.constant 2 : i32
        %dma_start3A_288 = arith.constant 2 : i32
        %dma_start3A_289 = arith.constant 0 : i32
        %dma_start3A_290 = arith.constant 0 : i32
        %dma_start3A_291 = tpu.memref_slice %arg6[%dma_start3A_287, %dma_start3A_289, %dma_start3A_290] : memref<3x4x8192xf32, #tpu.memory_space<vmem>> -> memref<1x4x8192xf32, #tpu.memory_space<vmem>>
        %dma_start3A_292 = tpu.memref_squeeze %dma_start3A_291 : memref<1x4x8192xf32, #tpu.memory_space<vmem>> -> memref<4x8192xf32, #tpu.memory_space<vmem>>
        %dma_start3A_293 = arith.constant 0 : i32
        %dma_start3A_294 = tpu.memref_slice %arg5[%add3A_196, %dma_start3A_293] : memref<128x4xi32, #tpu.memory_space<vmem>> -> memref<1x4xi32, #tpu.memory_space<vmem>>
        %dma_start3A_295 = tpu.memref_squeeze %dma_start3A_294 : memref<1x4xi32, #tpu.memory_space<vmem>> -> memref<4xi32, #tpu.memory_space<vmem>>
        %dma_start3A_296 = arith.constant 0 : i32
        %dma_start3A_297 = arith.constant 0 : i32
        %dma_start3A_298 = tpu.memref_slice %arg3[%dma_start3A_296, %dma_start3A_297] : memref<8192x8192xf32, #tpu.memory_space<hbm>> -> memref<8192x8192xf32, #tpu.memory_space<hbm>>
        %dma_start3A_299 = tpu.memref_slice %arg7[%dma_start3A_288] : memref<3x!tpu.dma_semaphore, #tpu.memory_space<semaphore_mem>> -> memref<1x!tpu.dma_semaphore, #tpu.memory_space<semaphore_mem>>
        %dma_start3A_300 = tpu.memref_squeeze %dma_start3A_299 : memref<1x!tpu.dma_semaphore, #tpu.memory_space<semaphore_mem>> -> memref<!tpu.dma_semaphore, #tpu.memory_space<semaphore_mem>>
        tpu.enqueue_indirect_dma source(%dma_start3A_298 : memref<8192x8192xf32, #tpu.memory_space<hbm>>) target(%dma_start3A_292 : memref<4x8192xf32, #tpu.memory_space<vmem>>) offsets(%dma_start3A_295 : memref<4xi32, #tpu.memory_space<vmem>>) semaphore(%dma_start3A_300 : memref<!tpu.dma_semaphore, #tpu.memory_space<semaphore_mem>>)
      } else {
      }
      %add3A_199 = arith.constant 1 : i32
      %add3A_200 = arith.addi %add3A_159, %add3A_199 : i32
      %dma_wait3A_201 = arith.constant 1 : i32
      %dma_wait3A_202 = arith.constant 1 : i32
      %dma_wait3A_203 = arith.constant 0 : i32
      %dma_wait3A_204 = arith.constant 0 : i32
      %dma_wait3A_205 = tpu.memref_slice %arg6[%dma_wait3A_201, %dma_wait3A_203, %dma_wait3A_204] : memref<3x4x8192xf32, #tpu.memory_space<vmem>> -> memref<1x4x8192xf32, #tpu.memory_space<vmem>>
      %dma_wait3A_206 = tpu.memref_squeeze %dma_wait3A_205 : memref<1x4x8192xf32, #tpu.memory_space<vmem>> -> memref<4x8192xf32, #tpu.memory_space<vmem>>
      %dma_wait3A_207 = arith.constant 0 : i32
      %dma_wait3A_208 = tpu.memref_slice %arg5[%add3A_200, %dma_wait3A_207] : memref<128x4xi32, #tpu.memory_space<vmem>> -> memref<1x4xi32, #tpu.memory_space<vmem>>
      %dma_wait3A_209 = tpu.memref_squeeze %dma_wait3A_208 : memref<1x4xi32, #tpu.memory_space<vmem>> -> memref<4xi32, #tpu.memory_space<vmem>>
      %dma_wait3A_210 = arith.constant 0 : i32
      %dma_wait3A_211 = arith.constant 0 : i32
      %dma_wait3A_212 = tpu.memref_slice %arg3[%dma_wait3A_210, %dma_wait3A_211] : memref<8192x8192xf32, #tpu.memory_space<hbm>> -> memref<8192x8192xf32, #tpu.memory_space<hbm>>
      %dma_wait3A_213 = tpu.memref_slice %arg7[%dma_wait3A_202] : memref<3x!tpu.dma_semaphore, #tpu.memory_space<semaphore_mem>> -> memref<1x!tpu.dma_semaphore, #tpu.memory_space<semaphore_mem>>
      %dma_wait3A_214 = tpu.memref_squeeze %dma_wait3A_213 : memref<1x!tpu.dma_semaphore, #tpu.memory_space<semaphore_mem>> -> memref<!tpu.dma_semaphore, #tpu.memory_space<semaphore_mem>>
      tpu.wait_indirect_dma semaphore(%dma_wait3A_214 : memref<!tpu.dma_semaphore, #tpu.memory_space<semaphore_mem>>) src(%dma_wait3A_212 : memref<8192x8192xf32, #tpu.memory_space<hbm>>) dst(%dma_wait3A_206 : memref<4x8192xf32, #tpu.memory_space<vmem>>)
      %mul3A_215 = arith.constant 4 : i32
      %mul3A_216 = arith.muli %add3A_200, %mul3A_215 : i32
      %add3A_217 = arith.addi %mul3A_2, %mul3A_216 : i32
      %dma_start3A_218 = arith.constant 1 : i32
      %dma_start3A_219 = arith.constant 1 : i32
      %dma_start3A_220 = arith.constant 0 : i32
      %dma_start3A_221 = arith.constant 0 : i32
      %dma_start3A_222 = tpu.memref_slice %arg6[%dma_start3A_218, %dma_start3A_220, %dma_start3A_221] : memref<3x4x8192xf32, #tpu.memory_space<vmem>> -> memref<1x4x8192xf32, #tpu.memory_space<vmem>>
      %dma_start3A_223 = tpu.memref_squeeze %dma_start3A_222 : memref<1x4x8192xf32, #tpu.memory_space<vmem>> -> memref<4x8192xf32, #tpu.memory_space<vmem>>
      %dma_start3A_224 = arith.constant 0 : i32
      %dma_start3A_225 = tpu.memref_slice %arg4[%add3A_217, %dma_start3A_224] : memref<16384x8192xf32, #tpu.memory_space<hbm>> -> memref<4x8192xf32, #tpu.memory_space<hbm>>
      %dma_start3A_226 = tpu.memref_slice %arg8[%dma_start3A_219] : memref<3x!tpu.dma_semaphore, #tpu.memory_space<semaphore_mem>> -> memref<1x!tpu.dma_semaphore, #tpu.memory_space<semaphore_mem>>
      %dma_start3A_227 = tpu.memref_squeeze %dma_start3A_226 : memref<1x!tpu.dma_semaphore, #tpu.memory_space<semaphore_mem>> -> memref<!tpu.dma_semaphore, #tpu.memory_space<semaphore_mem>>
      %dma_start3A_228 = arith.constant 0 : i32
      %dma_start3A_229 = tpu.memref_slice %arg4[%add3A_217, %dma_start3A_228] : memref<16384x8192xf32, #tpu.memory_space<hbm>> -> memref<4x8192xf32, #tpu.memory_space<hbm>>
      %dma_start3A_230 = arith.constant 0 : i32
      %dma_start3A_231 = arith.constant 0 : i32
      %dma_start3A_232 = tpu.memref_slice %arg6[%dma_start3A_218, %dma_start3A_230, %dma_start3A_231] : memref<3x4x8192xf32, #tpu.memory_space<vmem>> -> memref<1x4x8192xf32, #tpu.memory_space<vmem>>
      %dma_start3A_233 = tpu.memref_squeeze %dma_start3A_232 : memref<1x4x8192xf32, #tpu.memory_space<vmem>> -> memref<4x8192xf32, #tpu.memory_space<vmem>>
      tpu.enqueue_dma source(%dma_start3A_233 : memref<4x8192xf32, #tpu.memory_space<vmem>>) target(%dma_start3A_229 : memref<4x8192xf32, #tpu.memory_space<hbm>>) target_semaphore(%dma_start3A_227 : memref<!tpu.dma_semaphore, #tpu.memory_space<semaphore_mem>>)
      %add3A_234 = arith.constant 2 : i32
      %add3A_235 = arith.addi %add3A_200, %add3A_234 : i32
      %lt3A_236 = arith.constant 128 : i32
      %lt3A_237 = arith.cmpi slt, %add3A_235, %lt3A_236 : i32
      %convert_element_type3A_238 = arith.extui %lt3A_237 : i1 to i32
      %cond3A_239 = arith.constant 0 : i32
      %cond3A_240 = arith.cmpi ne, %convert_element_type3A_238, %cond3A_239 : i32
      scf.if %cond3A_240 {
        %ge3A = arith.constant 3 : i32
        %ge3A_283 = arith.cmpi sge, %add3A_235, %ge3A : i32
        %convert_element_type3A_284 = arith.extui %ge3A_283 : i1 to i32
        %cond3A_285 = arith.constant 0 : i32
        %cond3A_286 = arith.cmpi ne, %convert_element_type3A_284, %cond3A_285 : i32
        scf.if %cond3A_286 {
          %sub3A = arith.constant 3 : i32
          %sub3A_301 = arith.subi %add3A_235, %sub3A : i32
          %mul3A_302 = arith.constant 4 : i32
          %mul3A_303 = arith.muli %sub3A_301, %mul3A_302 : i32
          %add3A_304 = arith.addi %mul3A_2, %mul3A_303 : i32
          %dma_wait3A_305 = arith.constant 0 : i32
          %dma_wait3A_306 = arith.constant 0 : i32
          %dma_wait3A_307 = arith.constant 0 : i32
          %dma_wait3A_308 = arith.constant 0 : i32
          %dma_wait3A_309 = tpu.memref_slice %arg6[%dma_wait3A_305, %dma_wait3A_307, %dma_wait3A_308] : memref<3x4x8192xf32, #tpu.memory_space<vmem>> -> memref<1x4x8192xf32, #tpu.memory_space<vmem>>
          %dma_wait3A_310 = tpu.memref_squeeze %dma_wait3A_309 : memref<1x4x8192xf32, #tpu.memory_space<vmem>> -> memref<4x8192xf32, #tpu.memory_space<vmem>>
          %dma_wait3A_311 = arith.constant 0 : i32
          %dma_wait3A_312 = tpu.memref_slice %arg4[%add3A_304, %dma_wait3A_311] : memref<16384x8192xf32, #tpu.memory_space<hbm>> -> memref<4x8192xf32, #tpu.memory_space<hbm>>
          %dma_wait3A_313 = tpu.memref_slice %arg8[%dma_wait3A_306] : memref<3x!tpu.dma_semaphore, #tpu.memory_space<semaphore_mem>> -> memref<1x!tpu.dma_semaphore, #tpu.memory_space<semaphore_mem>>
          %dma_wait3A_314 = tpu.memref_squeeze %dma_wait3A_313 : memref<1x!tpu.dma_semaphore, #tpu.memory_space<semaphore_mem>> -> memref<!tpu.dma_semaphore, #tpu.memory_space<semaphore_mem>>
          %dma_wait3A_315 = arith.constant 0 : i32
          %dma_wait3A_316 = tpu.memref_slice %arg4[%add3A_304, %dma_wait3A_315] : memref<16384x8192xf32, #tpu.memory_space<hbm>> -> memref<4x8192xf32, #tpu.memory_space<hbm>>
          %dma_wait3A_317 = arith.constant 0 : i32
          %dma_wait3A_318 = arith.constant 0 : i32
          %dma_wait3A_319 = tpu.memref_slice %arg6[%dma_wait3A_305, %dma_wait3A_317, %dma_wait3A_318] : memref<3x4x8192xf32, #tpu.memory_space<vmem>> -> memref<1x4x8192xf32, #tpu.memory_space<vmem>>
          %dma_wait3A_320 = tpu.memref_squeeze %dma_wait3A_319 : memref<1x4x8192xf32, #tpu.memory_space<vmem>> -> memref<4x8192xf32, #tpu.memory_space<vmem>>
          tpu.wait_dma2 semaphore(%dma_wait3A_314 : memref<!tpu.dma_semaphore, #tpu.memory_space<semaphore_mem>>) src(%dma_wait3A_320 : memref<4x8192xf32, #tpu.memory_space<vmem>>) dst(%dma_wait3A_316 : memref<4x8192xf32, #tpu.memory_space<hbm>>)
        } else {
        }
        %dma_start3A_287 = arith.constant 0 : i32
        %dma_start3A_288 = arith.constant 0 : i32
        %dma_start3A_289 = arith.constant 0 : i32
        %dma_start3A_290 = arith.constant 0 : i32
        %dma_start3A_291 = tpu.memref_slice %arg6[%dma_start3A_287, %dma_start3A_289, %dma_start3A_290] : memref<3x4x8192xf32, #tpu.memory_space<vmem>> -> memref<1x4x8192xf32, #tpu.memory_space<vmem>>
        %dma_start3A_292 = tpu.memref_squeeze %dma_start3A_291 : memref<1x4x8192xf32, #tpu.memory_space<vmem>> -> memref<4x8192xf32, #tpu.memory_space<vmem>>
        %dma_start3A_293 = arith.constant 0 : i32
        %dma_start3A_294 = tpu.memref_slice %arg5[%add3A_235, %dma_start3A_293] : memref<128x4xi32, #tpu.memory_space<vmem>> -> memref<1x4xi32, #tpu.memory_space<vmem>>
        %dma_start3A_295 = tpu.memref_squeeze %dma_start3A_294 : memref<1x4xi32, #tpu.memory_space<vmem>> -> memref<4xi32, #tpu.memory_space<vmem>>
        %dma_start3A_296 = arith.constant 0 : i32
        %dma_start3A_297 = arith.constant 0 : i32
        %dma_start3A_298 = tpu.memref_slice %arg3[%dma_start3A_296, %dma_start3A_297] : memref<8192x8192xf32, #tpu.memory_space<hbm>> -> memref<8192x8192xf32, #tpu.memory_space<hbm>>
        %dma_start3A_299 = tpu.memref_slice %arg7[%dma_start3A_288] : memref<3x!tpu.dma_semaphore, #tpu.memory_space<semaphore_mem>> -> memref<1x!tpu.dma_semaphore, #tpu.memory_space<semaphore_mem>>
        %dma_start3A_300 = tpu.memref_squeeze %dma_start3A_299 : memref<1x!tpu.dma_semaphore, #tpu.memory_space<semaphore_mem>> -> memref<!tpu.dma_semaphore, #tpu.memory_space<semaphore_mem>>
        tpu.enqueue_indirect_dma source(%dma_start3A_298 : memref<8192x8192xf32, #tpu.memory_space<hbm>>) target(%dma_start3A_292 : memref<4x8192xf32, #tpu.memory_space<vmem>>) offsets(%dma_start3A_295 : memref<4xi32, #tpu.memory_space<vmem>>) semaphore(%dma_start3A_300 : memref<!tpu.dma_semaphore, #tpu.memory_space<semaphore_mem>>)
      } else {
      }
      %add3A_241 = arith.constant 2 : i32
      %add3A_242 = arith.addi %add3A_159, %add3A_241 : i32
      %dma_wait3A_243 = arith.constant 2 : i32
      %dma_wait3A_244 = arith.constant 2 : i32
      %dma_wait3A_245 = arith.constant 0 : i32
      %dma_wait3A_246 = arith.constant 0 : i32
      %dma_wait3A_247 = tpu.memref_slice %arg6[%dma_wait3A_243, %dma_wait3A_245, %dma_wait3A_246] : memref<3x4x8192xf32, #tpu.memory_space<vmem>> -> memref<1x4x8192xf32, #tpu.memory_space<vmem>>
      %dma_wait3A_248 = tpu.memref_squeeze %dma_wait3A_247 : memref<1x4x8192xf32, #tpu.memory_space<vmem>> -> memref<4x8192xf32, #tpu.memory_space<vmem>>
      %dma_wait3A_249 = arith.constant 0 : i32
      %dma_wait3A_250 = tpu.memref_slice %arg5[%add3A_242, %dma_wait3A_249] : memref<128x4xi32, #tpu.memory_space<vmem>> -> memref<1x4xi32, #tpu.memory_space<vmem>>
      %dma_wait3A_251 = tpu.memref_squeeze %dma_wait3A_250 : memref<1x4xi32, #tpu.memory_space<vmem>> -> memref<4xi32, #tpu.memory_space<vmem>>
      %dma_wait3A_252 = arith.constant 0 : i32
      %dma_wait3A_253 = arith.constant 0 : i32
      %dma_wait3A_254 = tpu.memref_slice %arg3[%dma_wait3A_252, %dma_wait3A_253] : memref<8192x8192xf32, #tpu.memory_space<hbm>> -> memref<8192x8192xf32, #tpu.memory_space<hbm>>
      %dma_wait3A_255 = tpu.memref_slice %arg7[%dma_wait3A_244] : memref<3x!tpu.dma_semaphore, #tpu.memory_space<semaphore_mem>> -> memref<1x!tpu.dma_semaphore, #tpu.memory_space<semaphore_mem>>
      %dma_wait3A_256 = tpu.memref_squeeze %dma_wait3A_255 : memref<1x!tpu.dma_semaphore, #tpu.memory_space<semaphore_mem>> -> memref<!tpu.dma_semaphore, #tpu.memory_space<semaphore_mem>>
      tpu.wait_indirect_dma semaphore(%dma_wait3A_256 : memref<!tpu.dma_semaphore, #tpu.memory_space<semaphore_mem>>) src(%dma_wait3A_254 : memref<8192x8192xf32, #tpu.memory_space<hbm>>) dst(%dma_wait3A_248 : memref<4x8192xf32, #tpu.memory_space<vmem>>)
      %mul3A_257 = arith.constant 4 : i32
      %mul3A_258 = arith.muli %add3A_242, %mul3A_257 : i32
      %add3A_259 = arith.addi %mul3A_2, %mul3A_258 : i32
      %dma_start3A_260 = arith.constant 2 : i32
      %dma_start3A_261 = arith.constant 2 : i32
      %dma_start3A_262 = arith.constant 0 : i32
      %dma_start3A_263 = arith.constant 0 : i32
      %dma_start3A_264 = tpu.memref_slice %arg6[%dma_start3A_260, %dma_start3A_262, %dma_start3A_263] : memref<3x4x8192xf32, #tpu.memory_space<vmem>> -> memref<1x4x8192xf32, #tpu.memory_space<vmem>>
      %dma_start3A_265 = tpu.memref_squeeze %dma_start3A_264 : memref<1x4x8192xf32, #tpu.memory_space<vmem>> -> memref<4x8192xf32, #tpu.memory_space<vmem>>
      %dma_start3A_266 = arith.constant 0 : i32
      %dma_start3A_267 = tpu.memref_slice %arg4[%add3A_259, %dma_start3A_266] : memref<16384x8192xf32, #tpu.memory_space<hbm>> -> memref<4x8192xf32, #tpu.memory_space<hbm>>
      %dma_start3A_268 = tpu.memref_slice %arg8[%dma_start3A_261] : memref<3x!tpu.dma_semaphore, #tpu.memory_space<semaphore_mem>> -> memref<1x!tpu.dma_semaphore, #tpu.memory_space<semaphore_mem>>
      %dma_start3A_269 = tpu.memref_squeeze %dma_start3A_268 : memref<1x!tpu.dma_semaphore, #tpu.memory_space<semaphore_mem>> -> memref<!tpu.dma_semaphore, #tpu.memory_space<semaphore_mem>>
      %dma_start3A_270 = arith.constant 0 : i32
      %dma_start3A_271 = tpu.memref_slice %arg4[%add3A_259, %dma_start3A_270] : memref<16384x8192xf32, #tpu.memory_space<hbm>> -> memref<4x8192xf32, #tpu.memory_space<hbm>>
      %dma_start3A_272 = arith.constant 0 : i32
      %dma_start3A_273 = arith.constant 0 : i32
      %dma_start3A_274 = tpu.memref_slice %arg6[%dma_start3A_260, %dma_start3A_272, %dma_start3A_273] : memref<3x4x8192xf32, #tpu.memory_space<vmem>> -> memref<1x4x8192xf32, #tpu.memory_space<vmem>>
      %dma_start3A_275 = tpu.memref_squeeze %dma_start3A_274 : memref<1x4x8192xf32, #tpu.memory_space<vmem>> -> memref<4x8192xf32, #tpu.memory_space<vmem>>
      tpu.enqueue_dma source(%dma_start3A_275 : memref<4x8192xf32, #tpu.memory_space<vmem>>) target(%dma_start3A_271 : memref<4x8192xf32, #tpu.memory_space<hbm>>) target_semaphore(%dma_start3A_269 : memref<!tpu.dma_semaphore, #tpu.memory_space<semaphore_mem>>)
      %add3A_276 = arith.constant 2 : i32
      %add3A_277 = arith.addi %add3A_242, %add3A_276 : i32
      %lt3A_278 = arith.constant 128 : i32
      %lt3A_279 = arith.cmpi slt, %add3A_277, %lt3A_278 : i32
      %convert_element_type3A_280 = arith.extui %lt3A_279 : i1 to i32
      %cond3A_281 = arith.constant 0 : i32
      %cond3A_282 = arith.cmpi ne, %convert_element_type3A_280, %cond3A_281 : i32
      scf.if %cond3A_282 {
        %ge3A = arith.constant 3 : i32
        %ge3A_283 = arith.cmpi sge, %add3A_277, %ge3A : i32
        %convert_element_type3A_284 = arith.extui %ge3A_283 : i1 to i32
        %cond3A_285 = arith.constant 0 : i32
        %cond3A_286 = arith.cmpi ne, %convert_element_type3A_284, %cond3A_285 : i32
        scf.if %cond3A_286 {
          %sub3A = arith.constant 3 : i32
          %sub3A_301 = arith.subi %add3A_277, %sub3A : i32
          %mul3A_302 = arith.constant 4 : i32
          %mul3A_303 = arith.muli %sub3A_301, %mul3A_302 : i32
          %add3A_304 = arith.addi %mul3A_2, %mul3A_303 : i32
          %dma_wait3A_305 = arith.constant 1 : i32
          %dma_wait3A_306 = arith.constant 1 : i32
          %dma_wait3A_307 = arith.constant 0 : i32
          %dma_wait3A_308 = arith.constant 0 : i32
          %dma_wait3A_309 = tpu.memref_slice %arg6[%dma_wait3A_305, %dma_wait3A_307, %dma_wait3A_308] : memref<3x4x8192xf32, #tpu.memory_space<vmem>> -> memref<1x4x8192xf32, #tpu.memory_space<vmem>>
          %dma_wait3A_310 = tpu.memref_squeeze %dma_wait3A_309 : memref<1x4x8192xf32, #tpu.memory_space<vmem>> -> memref<4x8192xf32, #tpu.memory_space<vmem>>
          %dma_wait3A_311 = arith.constant 0 : i32
          %dma_wait3A_312 = tpu.memref_slice %arg4[%add3A_304, %dma_wait3A_311] : memref<16384x8192xf32, #tpu.memory_space<hbm>> -> memref<4x8192xf32, #tpu.memory_space<hbm>>
          %dma_wait3A_313 = tpu.memref_slice %arg8[%dma_wait3A_306] : memref<3x!tpu.dma_semaphore, #tpu.memory_space<semaphore_mem>> -> memref<1x!tpu.dma_semaphore, #tpu.memory_space<semaphore_mem>>
          %dma_wait3A_314 = tpu.memref_squeeze %dma_wait3A_313 : memref<1x!tpu.dma_semaphore, #tpu.memory_space<semaphore_mem>> -> memref<!tpu.dma_semaphore, #tpu.memory_space<semaphore_mem>>
          %dma_wait3A_315 = arith.constant 0 : i32
          %dma_wait3A_316 = tpu.memref_slice %arg4[%add3A_304, %dma_wait3A_315] : memref<16384x8192xf32, #tpu.memory_space<hbm>> -> memref<4x8192xf32, #tpu.memory_space<hbm>>
          %dma_wait3A_317 = arith.constant 0 : i32
          %dma_wait3A_318 = arith.constant 0 : i32
          %dma_wait3A_319 = tpu.memref_slice %arg6[%dma_wait3A_305, %dma_wait3A_317, %dma_wait3A_318] : memref<3x4x8192xf32, #tpu.memory_space<vmem>> -> memref<1x4x8192xf32, #tpu.memory_space<vmem>>
          %dma_wait3A_320 = tpu.memref_squeeze %dma_wait3A_319 : memref<1x4x8192xf32, #tpu.memory_space<vmem>> -> memref<4x8192xf32, #tpu.memory_space<vmem>>
          tpu.wait_dma2 semaphore(%dma_wait3A_314 : memref<!tpu.dma_semaphore, #tpu.memory_space<semaphore_mem>>) src(%dma_wait3A_320 : memref<4x8192xf32, #tpu.memory_space<vmem>>) dst(%dma_wait3A_316 : memref<4x8192xf32, #tpu.memory_space<hbm>>)
        } else {
        }
        %dma_start3A_287 = arith.constant 1 : i32
        %dma_start3A_288 = arith.constant 1 : i32
        %dma_start3A_289 = arith.constant 0 : i32
        %dma_start3A_290 = arith.constant 0 : i32
        %dma_start3A_291 = tpu.memref_slice %arg6[%dma_start3A_287, %dma_start3A_289, %dma_start3A_290] : memref<3x4x8192xf32, #tpu.memory_space<vmem>> -> memref<1x4x8192xf32, #tpu.memory_space<vmem>>
        %dma_start3A_292 = tpu.memref_squeeze %dma_start3A_291 : memref<1x4x8192xf32, #tpu.memory_space<vmem>> -> memref<4x8192xf32, #tpu.memory_space<vmem>>
        %dma_start3A_293 = arith.constant 0 : i32
        %dma_start3A_294 = tpu.memref_slice %arg5[%add3A_277, %dma_start3A_293] : memref<128x4xi32, #tpu.memory_space<vmem>> -> memref<1x4xi32, #tpu.memory_space<vmem>>
        %dma_start3A_295 = tpu.memref_squeeze %dma_start3A_294 : memref<1x4xi32, #tpu.memory_space<vmem>> -> memref<4xi32, #tpu.memory_space<vmem>>
        %dma_start3A_296 = arith.constant 0 : i32
        %dma_start3A_297 = arith.constant 0 : i32
        %dma_start3A_298 = tpu.memref_slice %arg3[%dma_start3A_296, %dma_start3A_297] : memref<8192x8192xf32, #tpu.memory_space<hbm>> -> memref<8192x8192xf32, #tpu.memory_space<hbm>>
        %dma_start3A_299 = tpu.memref_slice %arg7[%dma_start3A_288] : memref<3x!tpu.dma_semaphore, #tpu.memory_space<semaphore_mem>> -> memref<1x!tpu.dma_semaphore, #tpu.memory_space<semaphore_mem>>
        %dma_start3A_300 = tpu.memref_squeeze %dma_start3A_299 : memref<1x!tpu.dma_semaphore, #tpu.memory_space<semaphore_mem>> -> memref<!tpu.dma_semaphore, #tpu.memory_space<semaphore_mem>>
        tpu.enqueue_indirect_dma source(%dma_start3A_298 : memref<8192x8192xf32, #tpu.memory_space<hbm>>) target(%dma_start3A_292 : memref<4x8192xf32, #tpu.memory_space<vmem>>) offsets(%dma_start3A_295 : memref<4xi32, #tpu.memory_space<vmem>>) semaphore(%dma_start3A_300 : memref<!tpu.dma_semaphore, #tpu.memory_space<semaphore_mem>>)
      } else {
      }
    }
    %scan3A_35 = arith.constant 42 : i32
    %dma_wait3A = arith.constant 126 : i32
    %dma_wait3A_36 = arith.constant 0 : i32
    %dma_wait3A_37 = arith.constant 0 : i32
    %dma_wait3A_38 = arith.constant 0 : i32
    %dma_wait3A_39 = arith.constant 0 : i32
    %dma_wait3A_40 = tpu.memref_slice %arg6[%dma_wait3A_36, %dma_wait3A_38, %dma_wait3A_39] : memref<3x4x8192xf32, #tpu.memory_space<vmem>> -> memref<1x4x8192xf32, #tpu.memory_space<vmem>>
    %dma_wait3A_41 = tpu.memref_squeeze %dma_wait3A_40 : memref<1x4x8192xf32, #tpu.memory_space<vmem>> -> memref<4x8192xf32, #tpu.memory_space<vmem>>
    %dma_wait3A_42 = arith.constant 0 : i32
    %dma_wait3A_43 = tpu.memref_slice %arg5[%dma_wait3A, %dma_wait3A_42] : memref<128x4xi32, #tpu.memory_space<vmem>> -> memref<1x4xi32, #tpu.memory_space<vmem>>
    %dma_wait3A_44 = tpu.memref_squeeze %dma_wait3A_43 : memref<1x4xi32, #tpu.memory_space<vmem>> -> memref<4xi32, #tpu.memory_space<vmem>>
    %dma_wait3A_45 = arith.constant 0 : i32
    %dma_wait3A_46 = arith.constant 0 : i32
    %dma_wait3A_47 = tpu.memref_slice %arg3[%dma_wait3A_45, %dma_wait3A_46] : memref<8192x8192xf32, #tpu.memory_space<hbm>> -> memref<8192x8192xf32, #tpu.memory_space<hbm>>
    %dma_wait3A_48 = tpu.memref_slice %arg7[%dma_wait3A_37] : memref<3x!tpu.dma_semaphore, #tpu.memory_space<semaphore_mem>> -> memref<1x!tpu.dma_semaphore, #tpu.memory_space<semaphore_mem>>
    %dma_wait3A_49 = tpu.memref_squeeze %dma_wait3A_48 : memref<1x!tpu.dma_semaphore, #tpu.memory_space<semaphore_mem>> -> memref<!tpu.dma_semaphore, #tpu.memory_space<semaphore_mem>>
    tpu.wait_indirect_dma semaphore(%dma_wait3A_49 : memref<!tpu.dma_semaphore, #tpu.memory_space<semaphore_mem>>) src(%dma_wait3A_47 : memref<8192x8192xf32, #tpu.memory_space<hbm>>) dst(%dma_wait3A_41 : memref<4x8192xf32, #tpu.memory_space<vmem>>)
    %add3A_50 = arith.constant 504 : i32
    %add3A_51 = arith.addi %mul3A_2, %add3A_50 : i32
    %dma_start3A_52 = arith.constant 0 : i32
    %dma_start3A_53 = arith.constant 0 : i32
    %dma_start3A_54 = arith.constant 0 : i32
    %dma_start3A_55 = arith.constant 0 : i32
    %dma_start3A_56 = tpu.memref_slice %arg6[%dma_start3A_52, %dma_start3A_54, %dma_start3A_55] : memref<3x4x8192xf32, #tpu.memory_space<vmem>> -> memref<1x4x8192xf32, #tpu.memory_space<vmem>>
    %dma_start3A_57 = tpu.memref_squeeze %dma_start3A_56 : memref<1x4x8192xf32, #tpu.memory_space<vmem>> -> memref<4x8192xf32, #tpu.memory_space<vmem>>
    %dma_start3A_58 = arith.constant 0 : i32
    %dma_start3A_59 = tpu.memref_slice %arg4[%add3A_51, %dma_start3A_58] : memref<16384x8192xf32, #tpu.memory_space<hbm>> -> memref<4x8192xf32, #tpu.memory_space<hbm>>
    %dma_start3A_60 = tpu.memref_slice %arg8[%dma_start3A_53] : memref<3x!tpu.dma_semaphore, #tpu.memory_space<semaphore_mem>> -> memref<1x!tpu.dma_semaphore, #tpu.memory_space<semaphore_mem>>
    %dma_start3A_61 = tpu.memref_squeeze %dma_start3A_60 : memref<1x!tpu.dma_semaphore, #tpu.memory_space<semaphore_mem>> -> memref<!tpu.dma_semaphore, #tpu.memory_space<semaphore_mem>>
    %dma_start3A_62 = arith.constant 0 : i32
    %dma_start3A_63 = tpu.memref_slice %arg4[%add3A_51, %dma_start3A_62] : memref<16384x8192xf32, #tpu.memory_space<hbm>> -> memref<4x8192xf32, #tpu.memory_space<hbm>>
    %dma_start3A_64 = arith.constant 0 : i32
    %dma_start3A_65 = arith.constant 0 : i32
    %dma_start3A_66 = tpu.memref_slice %arg6[%dma_start3A_52, %dma_start3A_64, %dma_start3A_65] : memref<3x4x8192xf32, #tpu.memory_space<vmem>> -> memref<1x4x8192xf32, #tpu.memory_space<vmem>>
    %dma_start3A_67 = tpu.memref_squeeze %dma_start3A_66 : memref<1x4x8192xf32, #tpu.memory_space<vmem>> -> memref<4x8192xf32, #tpu.memory_space<vmem>>
    tpu.enqueue_dma source(%dma_start3A_67 : memref<4x8192xf32, #tpu.memory_space<vmem>>) target(%dma_start3A_63 : memref<4x8192xf32, #tpu.memory_space<hbm>>) target_semaphore(%dma_start3A_61 : memref<!tpu.dma_semaphore, #tpu.memory_space<semaphore_mem>>)
    %dma_wait3A_68 = arith.constant 127 : i32
    %dma_wait3A_69 = arith.constant 1 : i32
    %dma_wait3A_70 = arith.constant 1 : i32
    %dma_wait3A_71 = arith.constant 0 : i32
    %dma_wait3A_72 = arith.constant 0 : i32
    %dma_wait3A_73 = tpu.memref_slice %arg6[%dma_wait3A_69, %dma_wait3A_71, %dma_wait3A_72] : memref<3x4x8192xf32, #tpu.memory_space<vmem>> -> memref<1x4x8192xf32, #tpu.memory_space<vmem>>
    %dma_wait3A_74 = tpu.memref_squeeze %dma_wait3A_73 : memref<1x4x8192xf32, #tpu.memory_space<vmem>> -> memref<4x8192xf32, #tpu.memory_space<vmem>>
    %dma_wait3A_75 = arith.constant 0 : i32
    %dma_wait3A_76 = tpu.memref_slice %arg5[%dma_wait3A_68, %dma_wait3A_75] : memref<128x4xi32, #tpu.memory_space<vmem>> -> memref<1x4xi32, #tpu.memory_space<vmem>>
    %dma_wait3A_77 = tpu.memref_squeeze %dma_wait3A_76 : memref<1x4xi32, #tpu.memory_space<vmem>> -> memref<4xi32, #tpu.memory_space<vmem>>
    %dma_wait3A_78 = arith.constant 0 : i32
    %dma_wait3A_79 = arith.constant 0 : i32
    %dma_wait3A_80 = tpu.memref_slice %arg3[%dma_wait3A_78, %dma_wait3A_79] : memref<8192x8192xf32, #tpu.memory_space<hbm>> -> memref<8192x8192xf32, #tpu.memory_space<hbm>>
    %dma_wait3A_81 = tpu.memref_slice %arg7[%dma_wait3A_70] : memref<3x!tpu.dma_semaphore, #tpu.memory_space<semaphore_mem>> -> memref<1x!tpu.dma_semaphore, #tpu.memory_space<semaphore_mem>>
    %dma_wait3A_82 = tpu.memref_squeeze %dma_wait3A_81 : memref<1x!tpu.dma_semaphore, #tpu.memory_space<semaphore_mem>> -> memref<!tpu.dma_semaphore, #tpu.memory_space<semaphore_mem>>
    tpu.wait_indirect_dma semaphore(%dma_wait3A_82 : memref<!tpu.dma_semaphore, #tpu.memory_space<semaphore_mem>>) src(%dma_wait3A_80 : memref<8192x8192xf32, #tpu.memory_space<hbm>>) dst(%dma_wait3A_74 : memref<4x8192xf32, #tpu.memory_space<vmem>>)
    %add3A_83 = arith.constant 508 : i32
    %add3A_84 = arith.addi %mul3A_2, %add3A_83 : i32
    %dma_start3A_85 = arith.constant 1 : i32
    %dma_start3A_86 = arith.constant 1 : i32
    %dma_start3A_87 = arith.constant 0 : i32
    %dma_start3A_88 = arith.constant 0 : i32
    %dma_start3A_89 = tpu.memref_slice %arg6[%dma_start3A_85, %dma_start3A_87, %dma_start3A_88] : memref<3x4x8192xf32, #tpu.memory_space<vmem>> -> memref<1x4x8192xf32, #tpu.memory_space<vmem>>
    %dma_start3A_90 = tpu.memref_squeeze %dma_start3A_89 : memref<1x4x8192xf32, #tpu.memory_space<vmem>> -> memref<4x8192xf32, #tpu.memory_space<vmem>>
    %dma_start3A_91 = arith.constant 0 : i32
    %dma_start3A_92 = tpu.memref_slice %arg4[%add3A_84, %dma_start3A_91] : memref<16384x8192xf32, #tpu.memory_space<hbm>> -> memref<4x8192xf32, #tpu.memory_space<hbm>>
    %dma_start3A_93 = tpu.memref_slice %arg8[%dma_start3A_86] : memref<3x!tpu.dma_semaphore, #tpu.memory_space<semaphore_mem>> -> memref<1x!tpu.dma_semaphore, #tpu.memory_space<semaphore_mem>>
    %dma_start3A_94 = tpu.memref_squeeze %dma_start3A_93 : memref<1x!tpu.dma_semaphore, #tpu.memory_space<semaphore_mem>> -> memref<!tpu.dma_semaphore, #tpu.memory_space<semaphore_mem>>
    %dma_start3A_95 = arith.constant 0 : i32
    %dma_start3A_96 = tpu.memref_slice %arg4[%add3A_84, %dma_start3A_95] : memref<16384x8192xf32, #tpu.memory_space<hbm>> -> memref<4x8192xf32, #tpu.memory_space<hbm>>
    %dma_start3A_97 = arith.constant 0 : i32
    %dma_start3A_98 = arith.constant 0 : i32
    %dma_start3A_99 = tpu.memref_slice %arg6[%dma_start3A_85, %dma_start3A_97, %dma_start3A_98] : memref<3x4x8192xf32, #tpu.memory_space<vmem>> -> memref<1x4x8192xf32, #tpu.memory_space<vmem>>
    %dma_start3A_100 = tpu.memref_squeeze %dma_start3A_99 : memref<1x4x8192xf32, #tpu.memory_space<vmem>> -> memref<4x8192xf32, #tpu.memory_space<vmem>>
    tpu.enqueue_dma source(%dma_start3A_100 : memref<4x8192xf32, #tpu.memory_space<vmem>>) target(%dma_start3A_96 : memref<4x8192xf32, #tpu.memory_space<hbm>>) target_semaphore(%dma_start3A_94 : memref<!tpu.dma_semaphore, #tpu.memory_space<semaphore_mem>>)
    %add3A_101 = arith.constant 500 : i32
    %add3A_102 = arith.addi %mul3A_2, %add3A_101 : i32
    %dma_wait3A_103 = arith.constant 2 : i32
    %dma_wait3A_104 = arith.constant 2 : i32
    %dma_wait3A_105 = arith.constant 0 : i32
    %dma_wait3A_106 = arith.constant 0 : i32
    %dma_wait3A_107 = tpu.memref_slice %arg6[%dma_wait3A_103, %dma_wait3A_105, %dma_wait3A_106] : memref<3x4x8192xf32, #tpu.memory_space<vmem>> -> memref<1x4x8192xf32, #tpu.memory_space<vmem>>
    %dma_wait3A_108 = tpu.memref_squeeze %dma_wait3A_107 : memref<1x4x8192xf32, #tpu.memory_space<vmem>> -> memref<4x8192xf32, #tpu.memory_space<vmem>>
    %dma_wait3A_109 = arith.constant 0 : i32
    %dma_wait3A_110 = tpu.memref_slice %arg4[%add3A_102, %dma_wait3A_109] : memref<16384x8192xf32, #tpu.memory_space<hbm>> -> memref<4x8192xf32, #tpu.memory_space<hbm>>
    %dma_wait3A_111 = tpu.memref_slice %arg8[%dma_wait3A_104] : memref<3x!tpu.dma_semaphore, #tpu.memory_space<semaphore_mem>> -> memref<1x!tpu.dma_semaphore, #tpu.memory_space<semaphore_mem>>
    %dma_wait3A_112 = tpu.memref_squeeze %dma_wait3A_111 : memref<1x!tpu.dma_semaphore, #tpu.memory_space<semaphore_mem>> -> memref<!tpu.dma_semaphore, #tpu.memory_space<semaphore_mem>>
    %dma_wait3A_113 = arith.constant 0 : i32
    %dma_wait3A_114 = tpu.memref_slice %arg4[%add3A_102, %dma_wait3A_113] : memref<16384x8192xf32, #tpu.memory_space<hbm>> -> memref<4x8192xf32, #tpu.memory_space<hbm>>
    %dma_wait3A_115 = arith.constant 0 : i32
    %dma_wait3A_116 = arith.constant 0 : i32
    %dma_wait3A_117 = tpu.memref_slice %arg6[%dma_wait3A_103, %dma_wait3A_115, %dma_wait3A_116] : memref<3x4x8192xf32, #tpu.memory_space<vmem>> -> memref<1x4x8192xf32, #tpu.memory_space<vmem>>
    %dma_wait3A_118 = tpu.memref_squeeze %dma_wait3A_117 : memref<1x4x8192xf32, #tpu.memory_space<vmem>> -> memref<4x8192xf32, #tpu.memory_space<vmem>>
    tpu.wait_dma2 semaphore(%dma_wait3A_112 : memref<!tpu.dma_semaphore, #tpu.memory_space<semaphore_mem>>) src(%dma_wait3A_118 : memref<4x8192xf32, #tpu.memory_space<vmem>>) dst(%dma_wait3A_114 : memref<4x8192xf32, #tpu.memory_space<hbm>>)
    %add3A_119 = arith.constant 504 : i32
    %add3A_120 = arith.addi %mul3A_2, %add3A_119 : i32
    %dma_wait3A_121 = arith.constant 0 : i32
    %dma_wait3A_122 = arith.constant 0 : i32
    %dma_wait3A_123 = arith.constant 0 : i32
    %dma_wait3A_124 = arith.constant 0 : i32
    %dma_wait3A_125 = tpu.memref_slice %arg6[%dma_wait3A_121, %dma_wait3A_123, %dma_wait3A_124] : memref<3x4x8192xf32, #tpu.memory_space<vmem>> -> memref<1x4x8192xf32, #tpu.memory_space<vmem>>
    %dma_wait3A_126 = tpu.memref_squeeze %dma_wait3A_125 : memref<1x4x8192xf32, #tpu.memory_space<vmem>> -> memref<4x8192xf32, #tpu.memory_space<vmem>>
    %dma_wait3A_127 = arith.constant 0 : i32
    %dma_wait3A_128 = tpu.memref_slice %arg4[%add3A_120, %dma_wait3A_127] : memref<16384x8192xf32, #tpu.memory_space<hbm>> -> memref<4x8192xf32, #tpu.memory_space<hbm>>
    %dma_wait3A_129 = tpu.memref_slice %arg8[%dma_wait3A_122] : memref<3x!tpu.dma_semaphore, #tpu.memory_space<semaphore_mem>> -> memref<1x!tpu.dma_semaphore, #tpu.memory_space<semaphore_mem>>
    %dma_wait3A_130 = tpu.memref_squeeze %dma_wait3A_129 : memref<1x!tpu.dma_semaphore, #tpu.memory_space<semaphore_mem>> -> memref<!tpu.dma_semaphore, #tpu.memory_space<semaphore_mem>>
    %dma_wait3A_131 = arith.constant 0 : i32
    %dma_wait3A_132 = tpu.memref_slice %arg4[%add3A_120, %dma_wait3A_131] : memref<16384x8192xf32, #tpu.memory_space<hbm>> -> memref<4x8192xf32, #tpu.memory_space<hbm>>
    %dma_wait3A_133 = arith.constant 0 : i32
    %dma_wait3A_134 = arith.constant 0 : i32
    %dma_wait3A_135 = tpu.memref_slice %arg6[%dma_wait3A_121, %dma_wait3A_133, %dma_wait3A_134] : memref<3x4x8192xf32, #tpu.memory_space<vmem>> -> memref<1x4x8192xf32, #tpu.memory_space<vmem>>
    %dma_wait3A_136 = tpu.memref_squeeze %dma_wait3A_135 : memref<1x4x8192xf32, #tpu.memory_space<vmem>> -> memref<4x8192xf32, #tpu.memory_space<vmem>>
    tpu.wait_dma2 semaphore(%dma_wait3A_130 : memref<!tpu.dma_semaphore, #tpu.memory_space<semaphore_mem>>) src(%dma_wait3A_136 : memref<4x8192xf32, #tpu.memory_space<vmem>>) dst(%dma_wait3A_132 : memref<4x8192xf32, #tpu.memory_space<hbm>>)
    %add3A_137 = arith.constant 508 : i32
    %add3A_138 = arith.addi %mul3A_2, %add3A_137 : i32
    %dma_wait3A_139 = arith.constant 1 : i32
    %dma_wait3A_140 = arith.constant 1 : i32
    %dma_wait3A_141 = arith.constant 0 : i32
    %dma_wait3A_142 = arith.constant 0 : i32
    %dma_wait3A_143 = tpu.memref_slice %arg6[%dma_wait3A_139, %dma_wait3A_141, %dma_wait3A_142] : memref<3x4x8192xf32, #tpu.memory_space<vmem>> -> memref<1x4x8192xf32, #tpu.memory_space<vmem>>
    %dma_wait3A_144 = tpu.memref_squeeze %dma_wait3A_143 : memref<1x4x8192xf32, #tpu.memory_space<vmem>> -> memref<4x8192xf32, #tpu.memory_space<vmem>>
    %dma_wait3A_145 = arith.constant 0 : i32
    %dma_wait3A_146 = tpu.memref_slice %arg4[%add3A_138, %dma_wait3A_145] : memref<16384x8192xf32, #tpu.memory_space<hbm>> -> memref<4x8192xf32, #tpu.memory_space<hbm>>
    %dma_wait3A_147 = tpu.memref_slice %arg8[%dma_wait3A_140] : memref<3x!tpu.dma_semaphore, #tpu.memory_space<semaphore_mem>> -> memref<1x!tpu.dma_semaphore, #tpu.memory_space<semaphore_mem>>
    %dma_wait3A_148 = tpu.memref_squeeze %dma_wait3A_147 : memref<1x!tpu.dma_semaphore, #tpu.memory_space<semaphore_mem>> -> memref<!tpu.dma_semaphore, #tpu.memory_space<semaphore_mem>>
    %dma_wait3A_149 = arith.constant 0 : i32
    %dma_wait3A_150 = tpu.memref_slice %arg4[%add3A_138, %dma_wait3A_149] : memref<16384x8192xf32, #tpu.memory_space<hbm>> -> memref<4x8192xf32, #tpu.memory_space<hbm>>
    %dma_wait3A_151 = arith.constant 0 : i32
    %dma_wait3A_152 = arith.constant 0 : i32
    %dma_wait3A_153 = tpu.memref_slice %arg6[%dma_wait3A_139, %dma_wait3A_151, %dma_wait3A_152] : memref<3x4x8192xf32, #tpu.memory_space<vmem>> -> memref<1x4x8192xf32, #tpu.memory_space<vmem>>
    %dma_wait3A_154 = tpu.memref_squeeze %dma_wait3A_153 : memref<1x4x8192xf32, #tpu.memory_space<vmem>> -> memref<4x8192xf32, #tpu.memory_space<vmem>>
    tpu.wait_dma2 semaphore(%dma_wait3A_148 : memref<!tpu.dma_semaphore, #tpu.memory_space<semaphore_mem>>) src(%dma_wait3A_154 : memref<4x8192xf32, #tpu.memory_space<vmem>>) dst(%dma_wait3A_150 : memref<4x8192xf32, #tpu.memory_space<hbm>>)
    return
  }
}

</mosaic_0001>

<sc_bundles>
// kernel: kernel.3.cloned.1.call-start
scs
__scs_entry_jumppad:
0x0: {  	(pc) =	sbr.rel $0x88, $3  }
0x1: {  	(tag) =	ssettag $0x0;
	lr =	simm.s32 $0x1  }
0x2: {  	[smem:$0x3F9F] =	sst lr;
	_ =	strace $0xD0000000  }
0x3: {  	_ = 	snop  }
0x4: {  	_ = 	snop  }
0x5: {  	_ = 	snop  }
0x6: {  	_ = 	snop  }
0x7: {  	_ = 	snop  }
__scs_overlays_trampoline_lowered:
0x8: {  	[smem:$0x3FAE] =	sst s0  }
0x9: {  	[smem:$0x3FAF] =	sst s1  }
0xa: {  	[smem:$0x3FB0] =	sst s2  }
0xb: {  	[smem:$0x3FB1] =	sst s3  }
0xc: {  	[smem:$0x3FB2] =	sst s4  }
0xd: {  	[smem:$0x3FB3] =	sst s5  }
0xe: {  	[smem:$0x3FB4] =	sst s6  }
0xf: {  	[smem:$0x3FB5] =	sst s7  }
0x10: {  	[smem:$0x3FB6] =	sst s8  }
0x11: {  	[smem:$0x3FB7] =	sst s9;
	s0 =	simm.s32 @!p0 $0x0  }
0x12: {  	s1 =	sld [smem:$0x3F9D];
	s0 =	simm.s32 @p0 $0x1  }
0x13: {  	[smem:$0x3FB8] =	sst s0;
	s0 =	simm.s32 @!p1 $0x0  }
0x14: {  	s2 =	sld [smem:$0x3F9C];
	s0 =	simm.s32 @p1 $0x1  }
0x15: {  	[smem:$0x3FB9] =	sst s0;
	s0 =	simm.s32 @!p2 $0x0  }
0x16: {  	s3 =	sld [smem:$0x3FDB];
	s0 =	simm.s32 @p2 $0x1  }
0x17: {  	s4 =	simm.s32 $0x1BF5;
	[smem:$0x3FBB] =	sst s0  }
0x18: {  	s0 =	sld [smem:$0x3F9E];
	_ =	swait.ge [sflag:s4], $0x0  }
0x19: {  	s7 =	sld [smem:$0x3F9F]  }
0x1a: {  	s8 =	sadd.s32 $0xFFFFE003, lr  }
0x1b: {  	s9 =	sadd.s32 $0xFFFFFEF7, lr;
	s5 =	simm.s32 $0xFFFFFFFF;
	p2 =	slt.u32 s8, $0xFFFFF086  }
0x1c: {  	p1 =	slt.u32 s9, $0xF7A;
	s5 =	simm.s32 @!p2 $0x0  }
0x1d: {  	s5 =	simm.s32 @p1 $0x1;
	p0 =	seq.s32 s7, s2  }
0x1e: {  	s7 =	smul.u32 @!p0 $0xF7A, s2;
	p2 =	seq.s32 @!p0 s5, $0x0  }
0x1f: {  	s9 =	smul.u32 $0xF7A, s1;
	s8 =	simm.s32 @!p0 $0x1BF5;
	p2 =	por !p2, p0  }
0x20: {  	[sflag:s8] =	ssyncset.s32 @!p0 $0xFFFFF086;
	s6 =	sadd.s32 @!p0 s3, s7;
	s7 =	simm.s32 @!p0 $0x108  }
0x21: {  	s3 =	sadd.s32 s3, s9;
	s6 =	sadd.s32 @!p0 $0x88, s6;
	s7 =	simm.s32 @p2 $0x1082  }
0x22: {  	[simem:s7], [sflag:s8] =	dma.local @!p0 [hbm:s6], $0xF7A  }
0x23: {  	s9 =	sor.u32 $0xD0000000, s2;
	s6 =	simm.s32 $0x108;
	_ =	swait.ge @!p0 [sflag:s8], $0x0  }
0x24: {  	s3 =	sadd.s32 $0x88, s3;
	s6 =	simm.s32 @!p1 $0x1082;
	[sflag:s4] =	ssyncset.s32 $0xFFFFF086  }
0x25: {  	[simem:s6], [sflag:s4] =	dma.local [hbm:s3], $0xF7A  }
0x26: {  	[smem:$0x3F9F] =	sst s1;
	(tag) =	ssettag s2;
	_ =	strace s9  }
0x27: {  	s1 =	sld [smem:$0x3FAF]  }
0x28: {  	s2 =	sld [smem:$0x3FB0]  }
0x29: {  	s4 =	sld [smem:$0x3FB2]  }
0x2a: {  	p0 =	seq.s32 s5, $0x0;
	s5 =	sld [smem:$0x3FB3]  }
0x2b: {  	s6 =	sld [smem:$0x3FB4]  }
0x2c: {  	s7 =	sld [smem:$0x3FB5]  }
0x2d: {  	s3 =	simm.s32 $0x108;
	s8 =	sld [smem:$0x3FB6]  }
0x2e: {  	s3 =	simm.s32 @!p0 $0x1082;
	s9 =	sld [smem:$0x3FB7]  }
0x2f: {  	lr =	sadd.s32 s0, s3;
	s0 =	sld [smem:$0x3FAE]  }
0x30: {  	s3 =	sld [smem:$0x3FB1]  }
0x31: {  	[smem:$0x3FBA] =	sst s10  }
0x32: {  	s10 =	sld [smem:$0x3FB8];
	_ =	sdelay $0x3  }
0x33: {  	p0 =	seq.s32 s10, $0x1;
	s10 =	sld [smem:$0x3FBA];
	_ =	sdelay $0x3  }
0x34: {  	[smem:$0x3FBA] =	sst s10  }
0x35: {  	s10 =	sld [smem:$0x3FB9];
	_ =	sdelay $0x3  }
0x36: {  	p1 =	seq.s32 s10, $0x1;
	s10 =	sld [smem:$0x3FBA];
	_ =	sdelay $0x3  }
0x37: {  	[smem:$0x3FBA] =	sst s10  }
0x38: {  	s10 =	sld [smem:$0x3FBB]  }
0x39: {  	_ = 	snop;
	(pc) =	sbr.ind lr, $3  }
0x3a: {  	_ = 	snop  }
0x3b: {  	_ = 	snop  }
0x3c: {  	p2 =	seq.s32 s10, $0x1;
	s10 =	sld [smem:$0x3FBA]  }
0x3d: {  	_ =	shalt  }
0x3e: {  	_ =	shalt  }
0x3f: {  	_ =	shalt  }
0x40: {  	_ =	shalt  }
0x41: {  	_ =	shalt  }
0x42: {  	_ =	shalt  }
0x43: {  	_ =	shalt  }
0x44: {  	_ =	shalt  }
0x45: {  	_ =	shalt  }
0x46: {  	_ =	shalt  }
0x47: {  	_ =	shalt  }
0x48: {  	_ =	shalt  }
0x49: {  	_ =	shalt  }
0x4a: {  	_ =	shalt  }
0x4b: {  	_ =	shalt  }
0x4c: {  	_ =	shalt  }
0x4d: {  	_ =	shalt  }
0x4e: {  	_ =	shalt  }
0x4f: {  	_ =	shalt  }
0x50: {  	_ =	shalt  }
0x51: {  	_ =	shalt  }
0x52: {  	_ =	shalt  }
0x53: {  	_ =	shalt  }
0x54: {  	_ =	shalt  }
0x55: {  	_ =	shalt  }
0x56: {  	_ =	shalt  }
0x57: {  	_ =	shalt  }
0x58: {  	_ =	shalt  }
0x59: {  	_ =	shalt  }
0x5a: {  	_ =	shalt  }
0x5b: {  	_ =	shalt  }
0x5c: {  	_ =	shalt  }
0x5d: {  	_ =	shalt  }
0x5e: {  	_ =	shalt  }
0x5f: {  	_ =	shalt  }
0x60: {  	_ =	shalt  }
0x61: {  	_ =	shalt  }
0x62: {  	_ =	shalt  }
0x63: {  	_ =	shalt  }
0x64: {  	_ =	shalt  }
0x65: {  	_ =	shalt  }
0x66: {  	_ =	shalt  }
0x67: {  	_ =	shalt  }
0x68: {  	_ =	shalt  }
0x69: {  	_ =	shalt  }
0x6a: {  	_ =	shalt  }
0x6b: {  	_ =	shalt  }
0x6c: {  	_ =	shalt  }
0x6d: {  	_ =	shalt  }
0x6e: {  	_ =	shalt  }
0x6f: {  	_ =	shalt  }
0x70: {  	_ =	shalt  }
0x71: {  	_ =	shalt  }
0x72: {  	_ =	shalt  }
0x73: {  	_ =	shalt  }
0x74: {  	_ =	shalt  }
0x75: {  	_ =	shalt  }
0x76: {  	_ =	shalt  }
0x77: {  	_ =	shalt  }
0x78: {  	_ =	shalt  }
0x79: {  	_ =	shalt  }
0x7a: {  	_ =	shalt  }
0x7b: {  	_ =	shalt  }
0x7c: {  	_ =	shalt  }
0x7d: {  	_ =	shalt  }
0x7e: {  	_ =	shalt  }
0x7f: {  	_ =	shalt  }
0x80: {  	_ =	shalt  }
0x81: {  	_ =	shalt  }
0x82: {  	_ =	shalt  }
0x83: {  	_ =	shalt  }
0x84: {  	_ =	shalt  }
0x85: {  	_ =	shalt  }
0x86: {  	_ =	shalt  }
0x87: {  	_ =	shalt  }
.Lfunc_end0:
.L_simem_size_0:
called_computation_lowered:
.L_overlay_start_0:
0x88: {  	s2 =	sld [smem:$0x3FD9]  }
0x89: {  	s3 =	sld [smem:$0x3FFE];
	_ =	sdelay $0x1  }
0x8a: {  	s1 =	srdreg.scid  }
0x8b: {  	s0 =	sand.u32 $0x1, s1  }
0x8c: {  	s17 =	sshll.u32 s0, $0xA;
	s2 =	sadd.s32 s3, s2  }
0x8d: {  	s2 =	sadd.s32 s2, s17  }
0x8e: {  	[smem:$0x3FC6] =	sst s2  }
0x8f: {  	_ = 	snop  }
0x90: {  	s2 =	sld [smem:$0x3FC8]  }
0x91: {  	s18 =	sld [smem:$0x3FD0];
	(tm) =	ssettm $0x1  }
0x92: {  	s4 =	sld [smem:$0x3FFB];
	_ =	sdelay $0x3  }
0x93: {  	_ =	strace s4  }
0x94: {  	s4 =	sld [smem:$0x3FFC];
	_ =	sdelay $0x3  }
0x95: {  	_ =	strace s4  }
0x96: {  	s4 =	sld [smem:$0x3FFD];
	_ =	sdelay $0x3  }
0x97: {  	_ =	strace s4  }
0x98: {  	_ =	strace $0x8FFFFFFF  }
0x99: {  	s19 =	sld [smem:$0x3FDB];
	_ =	sdelay $0x1  }
0x9a: {  	s5 =	simm.s32 $_scs_section_size  }
0x9b: {  	s6 =	simm.s32 $_size__tile_overlayer_lowered;
	s7 =	simm.s32 $_tile_overlayer_lowered  }
0x9c: {  	s22 =	simm.s32 $0x1BFF;
	s21 =	sshll.u32 s7, $0x1;
	s4 =	sadd.s32 s5, s19  }
0x9d: {  	s8 =	simm.s32 $0x0;
	s20 =	sshll.u32 s6, $0x1;
	s6 =	sadd.s32 s21, s4  }
0x9e: {  	[timem:s8], [sflag:s22] =	dma.local [hbm:s6], s20  }
0x9f: {  	_ =	swait.ge [sflag:s22], s20  }
0xa0: {  	s5 =	ssub.s32 $0x0, s20;
	[sflag:s22] =	ssyncset.done $0x0  }
0xa1: {  	[sflag:s22] =	ssyncadd.s32 s5;
	_ =	sdelay $0x1  }
0xa2: {  	s23 =	simm.s32 $0x1B8B  }
0xa3: {  	_ =	swait.ge [sflag:s23], $0x1  }
0xa4: {  	[sflag:s23] =	ssyncset.done $0x0  }
0xa5: {  	s25 =	simm.s32 $0x1B8E;
	s24 =	sld [smem:$0x3FFE];
	[sflag:s23] =	ssyncadd.s32 $0xFFFFFFFF  }
0xa6: {  	s26 =	simm.s32 $execute0_lowered;
	[smem:$0x3FD2] =	sst s25  }
0xa7: {  	s6 =	sshll.u32 s26, $0x1;
	_ =	strace $0x80000046;
	[dreg:$0x1] =	wrdreg $0xFFFFFFFF  }
0xa8: {  	s28 =	simm.s32 $_size_execute0_lowered;
	s4 =	sadd.s32 s4, s6;
	[dreg:$0x0] =	wrdreg $0x0  }
0xa9: {  	s6 =	sshll.u32 s28, $0x1;
	[dreg:$0x2] =	wrdreg s4  }
0xaa: {  	[dreg:$0x3] =	wrdreg s6  }
0xab: {  	[dreg:$0x4] =	wrdreg $0xC0  }
0xac: {  	_ =	task [dreg:s8], $0x5FFFF  }
0xad: {  	[dreg:$0x1] =	wrdreg $0xFFFFFFFF  }
0xae: {  	[dreg:$0x0] =	wrdreg $0x60  }
0xaf: {  	[dreg:$0x2] =	wrdreg s24  }
0xb0: {  	[dreg:$0x3] =	wrdreg s2  }
0xb1: {  	[dreg:$0x4] =	wrdreg s18  }
0xb2: {  	[dreg:$0x5] =	wrdreg $0x9  }
0xb3: {  	_ =	task.clear_ibuf [dreg:s8], $0x6FFFF;
	_ =	strace $0x90000046  }
0xb4: {  	s29 =	simm.s32 $0x9;
	_ =	strace $0x80000048  }
0xb5: {  	_ =	swait.ge [sflag:s29], $0x1  }
0xb6: {  	[sflag:s29] =	ssyncadd.s32 $0xFFFFFFFF  }
0xb7: {  	_ =	strace $0x90000048  }
0xb8: {  	_ =	sfence  }
0xb9: {  	s30 =	sld [smem:$0x0];
	_ =	sdelay $0x2  }
0xba: {  	s31 =	sshll.u32 s1, $0xD;
	s1 =	sshrl.u32 s1, $0x2  }
0xbb: {  	s3 =	sand.u32 $0x4000, s31;
	s1 =	sadd.s32 s1, s30  }
0xbc: {  	s0 =	sor.u32 s3, s0;
	s1 =	sshll.u32 s1, $0x11  }
0xbd: {  	s0 =	sor.u32 s1, s0  }
0xbe: {  	s0 =	sadd.s32 $0x8F2B, s0  }
0xbf: {  	[sflag:s0] =	ssyncadd.remote.s32 $0x1  }
0xc0: {  	_ =	sfence.sel $0xFFFF  }
0xc1: {  	[dreg:$0x0] =	wrdreg $0xFFFFFFFF;
	(pc) =	sbr.abs _section_cstart, $3  }
0xc2: {  	[dreg:$0x1] =	wrdreg $0xFFFFFFFF  }
0xc3: {  	_ =	task.clear_ibuf [dreg:s8], $0x2FFFF;
	_ =	strace $0x9FFFFFFF  }
0xc4: {  	(tm) =	ssettm $0x7FFFFFFF  }
0xc5: {  	_ =	shalt  }
tec
execute0_lowered:
.L_overlay_start_1:
0x0: {  	(tag) =	ssettag $0x1  }
0x1: {  	s0 =	rddreg [dreg:$0x0]  }
0x2: {  	s8 =	rddreg [dreg:$0x1];
	s1 =	srdreg.scid  }
0x3: {  	s2 =	stileid.u32;
	s22 =	rddreg [dreg:$0x2];
	s4 =	simm.s32 $0x0  }
0x4: {  	s14 =	simm.s32 $0x14800;
	s16 =	simm.s32 $0x15000;
	s17 =	simm.s32 $0x15800  }
0x5: {  	s18 =	simm.s32 $0x16000;
	s19 =	simm.s32 $0x16800;
	s20 =	simm.s32 $0x17000  }
0x6: {  	s21 =	simm.s32 $0x17800;
	s23 =	simm.s32 $0x18000;
	s24 =	simm.s32 $0x18800  }
0x7: {  	s25 =	simm.s32 $0x19000;
	s9 =	simm.s32 $0x1A000;
	[smem:$0x7FF] =	sst s4  }
0x8: {  	s10 =	simm.s32 $0x1A800;
	_ =	strace $0x80000047;
	[dreg:$0x5] =	wrdreg s14  }
0x9: {  	s30 =	simm.s32 $0x7800;
	s29 =	simm.s32 $0xC800;
	[dreg:$0x6] =	wrdreg s16  }
0xa: {  	s1 =	sand.u32 $0x1, s1;
	s3 =	sshll.u32 s2, $0x1;
	[dreg:$0x7] =	wrdreg s17  }
0xb: {  	s7 =	sadd.s32 $0x400, s8;
	s13 =	sshll.u32 s2, $0x14;
	[dreg:$0x8] =	wrdreg s18  }
0xc: {  	s2 =	smov.u32 s8;
	s31 =	sadd.s32 $0x600, s8;
	[dreg:$0x9] =	wrdreg s19  }
0xd: {  	s15 =	sadd.s32 $0x800, s8;
	s11 =	sadd.s32 $0xA00, s8;
	[dreg:$0xa] =	wrdreg s20  }
0xe: {  	s26 =	sadd.s32 $0x1200, s8;
	s28 =	sadd.s32 $0x1800, s8;
	[dreg:$0xb] =	wrdreg s21  }
0xf: {  	s3 =	sor.u32 s1, s3;
	s6 =	ssub.s32 $0x2, s1;
	[dreg:$0xc] =	wrdreg s23  }
0x10: {  	s1 =	sshll.u32 s1, $0x13;
	s14 =	sadd.s32 $0x1000, s8;
	[dreg:$0xd] =	wrdreg s24  }
0x11: {  	s16 =	sadd.s32 $0x1400, s8;
	s17 =	sadd.s32 $0x1600, s8;
	[dreg:$0xe] =	wrdreg s25  }
0x12: {  	s18 =	sadd.s32 $0x1A00, s8;
	s19 =	sadd.s32 $0x1C00, s8;
	[dreg:$0x10] =	wrdreg s9  }
0x13: {  	s20 =	sadd.s32 $0x1E00, s8;
	[dreg:$0x11] =	wrdreg s10;
	s23 =	simm.s32 $0x1B000  }
0x14: {  	s24 =	simm.s32 $0x1B800;
	s10 =	simm.s32 $0x0;
	s9 =	simm.s32 $0x200  }
0x15: {  	s5 =	sshll.u32 s3, $0xB;
	s12 =	sshrl.u32 s6, $0x1;
	[dreg:$0x12] =	wrdreg s23  }
0x16: {  	[dreg:$0x13] =	wrdreg s24;
	s24 =	simm.s32 $0x4000;
	s23 =	simm.s32 $0x4800  }
0x17: {  	s0 =	sadd.s32 s5, s0;
	s5 =	ssub.s32 s6, s12;
	s6 =	sadd.s32 $0x200, s8  }
0x18: {  	s12 =	sadd.s32 $0xC00, s8;
	s0 =	sadd.s32 $0x400, s0;
	s25 =	smax.u32 s5, $0x1  }
0x19: {  	[dreg:$0x14] =	wrdreg s0;
	s0 =	sor.u32 s1, s13;
	s13 =	sadd.s32 $0xE00, s8  }
0x1a: {  	s1 =	simm.s32 $0x19800;
	s8 =	sshll.u32 s3, $0x13;
	[dreg:$0x17] =	wrdreg s25  }
0x1b: {  	s5 =	simm.s32 $0x6000;
	[dreg:$0xf] =	wrdreg s1;
	s1 =	sadd.s32 s8, s22  }
0x1c: {  	v0 =	vlaneseq.u32;
	s3 =	simm.s32 $0x5800;
	[dreg:$0x4] =	wrdreg s0;
	s21 =	sadd.s32 $0x7E000, s1  }
0x1d: {  	v1 =	vshrl.u32 v0, $0x2;
	s25 =	simm.s32 $0x7000;
	s1 =	sadd.s32 $0x7E040, s1;
	[dreg:$0x15] =	wrdreg s21  }
0x1e: {  	vm0 =	vmmov $0xffff;
	v0 =	vand.u32 $0x3, v0;
	v1 =	vmul.u32 $0x8, v1;
	[dreg:$0x16] =	wrdreg s1;
	s1 =	simm.s32 $0x6800;
	s21 =	simm.s32 $0xC000  }
.LBB2_1:
0x1f: {  	[dreg:$0x18] =	wrdreg s10  }
0x20: {  	s0 =	rddreg [dreg:$0x14];
	s8 =	simm.s32 $0x7  }
0x21: {  	[tilespmem:s4], [sflag:$0x7] =	stream.linear.gather [hbm4b:s0+s4], $0x4000, $0x38;
	[tilespmem:$0x1C000] =	vst v63  }
0x22: {  	_ =	swait.ge [sflag:s8], $0x4000  }
0x23: {  	[sflag:s8] =	ssyncset.done $0x0  }
0x24: {  	[sflag:s8] =	ssyncadd.s32 $0xFFFFC000  }
0x25: {  	v2 =	vld.msk [tilespmem:$0x0], $0xf;
	_ =	sdelay $0x4  }
0x26: {  	v3 =	vshll.u32 v2, $0x6  }
0x27: {  	v2 =	vand.u32 $0x7, v2;
	v3 =	vand.u32 $0xFFFFFE00, v3  }
0x28: {  	v2 =	vor.u32 v2, v3  }
0x29: {  	v2 =	vperm.xlane v2, v0;
	_ =	sdelay $0x1  }
0x2a: {  	v2 =	vadd.s32 v1, v2;
	_ =	sdelay $0x4  }
0x2b: {  	[tilespmem:s24], [sflag:$0x1] =	stream.indirect_vreg.gather [hbm4b:s2+s4], $0x80, v2, vm0, $0xb8;
	[tilespmem:$0x1C000] =	vst v63  }
0x2c: {  	_ = 	snop  }
0x2d: {  	[tilespmem:s23], [sflag:$0x1] =	stream.indirect_vreg.gather [hbm4b:s6+s4], $0x80, v2, vm0, $0xb8;
	[tilespmem:$0x1C000] =	vst v63  }
0x2e: {  	s10 =	simm.s32 $0x5000  }
0x2f: {  	[tilespmem:s10], [sflag:$0x1] =	stream.indirect_vreg.gather [hbm4b:s7+s4], $0x80, v2, vm0, $0xb8;
	[tilespmem:$0x1C000] =	vst v63  }
0x30: {  	_ = 	snop  }
0x31: {  	[tilespmem:s3], [sflag:$0x1] =	stream.indirect_vreg.gather [hbm4b:s31+s4], $0x80, v2, vm0, $0xb8;
	[tilespmem:$0x1C000] =	vst v63  }
0x32: {  	_ = 	snop  }
0x33: {  	[tilespmem:s5], [sflag:$0x1] =	stream.indirect_vreg.gather [hbm4b:s15+s4], $0x80, v2, vm0, $0xb8;
	[tilespmem:$0x1C000] =	vst v63  }
0x34: {  	_ = 	snop  }
0x35: {  	[tilespmem:s1], [sflag:$0x1] =	stream.indirect_vreg.gather [hbm4b:s11+s4], $0x80, v2, vm0, $0xb8;
	[tilespmem:$0x1C000] =	vst v63  }
0x36: {  	_ = 	snop  }
0x37: {  	[tilespmem:s25], [sflag:$0x1] =	stream.indirect_vreg.gather [hbm4b:s12+s4], $0x80, v2, vm0, $0xb8;
	[tilespmem:$0x1C000] =	vst v63  }
0x38: {  	_ = 	snop  }
0x39: {  	[tilespmem:s30], [sflag:$0x1] =	stream.indirect_vreg.gather [hbm4b:s13+s4], $0x80, v2, vm0, $0xb8;
	[tilespmem:$0x1C000] =	vst v63  }
0x3a: {  	s30 =	simm.s32 $0x8000  }
0x3b: {  	[tilespmem:s30], [sflag:$0x1] =	stream.indirect_vreg.gather [hbm4b:s14+s4], $0x80, v2, vm0, $0xb8;
	[tilespmem:$0x1C000] =	vst v63  }
0x3c: {  	s1 =	simm.s32 $0x8800  }
0x3d: {  	[tilespmem:s1], [sflag:$0x1] =	stream.indirect_vreg.gather [hbm4b:s26+s4], $0x80, v2, vm0, $0xb8;
	[tilespmem:$0x1C000] =	vst v63  }
0x3e: {  	s3 =	simm.s32 $0x9000  }
0x3f: {  	[tilespmem:s3], [sflag:$0x1] =	stream.indirect_vreg.gather [hbm4b:s16+s4], $0x80, v2, vm0, $0xb8;
	[tilespmem:$0x1C000] =	vst v63  }
0x40: {  	s5 =	simm.s32 $0x9800  }
0x41: {  	[tilespmem:s5], [sflag:$0x1] =	stream.indirect_vreg.gather [hbm4b:s17+s4], $0x80, v2, vm0, $0xb8;
	[tilespmem:$0x1C000] =	vst v63  }
0x42: {  	s8 =	simm.s32 $0xA000  }
0x43: {  	[tilespmem:s8], [sflag:$0x1] =	stream.indirect_vreg.gather [hbm4b:s28+s4], $0x80, v2, vm0, $0xb8;
	[tilespmem:$0x1C000] =	vst v63  }
0x44: {  	s10 =	simm.s32 $0xA800  }
0x45: {  	[tilespmem:s10], [sflag:$0x1] =	stream.indirect_vreg.gather [hbm4b:s18+s4], $0x80, v2, vm0, $0xb8;
	[tilespmem:$0x1C000] =	vst v63  }
0x46: {  	s23 =	simm.s32 $0xB000  }
0x47: {  	[tilespmem:s23], [sflag:$0x1] =	stream.indirect_vreg.gather [hbm4b:s19+s4], $0x80, v2, vm0, $0xb8;
	[tilespmem:$0x1C000] =	vst v63  }
0x48: {  	s24 =	simm.s32 $0xB800  }
0x49: {  	[tilespmem:s24], [sflag:$0x1] =	stream.indirect_vreg.gather [hbm4b:s20+s4], $0x80, v2, vm0, $0xb8;
	[tilespmem:$0x1C000] =	vst v63  }
0x4a: {  	v2 =	vld.msk [tilespmem:$0x80], $0xf;
	_ =	sdelay $0x4  }
0x4b: {  	v3 =	vshll.u32 v2, $0x6  }
0x4c: {  	v2 =	vand.u32 $0x7, v2;
	v3 =	vand.u32 $0xFFFFFE00, v3  }
0x4d: {  	v2 =	vor.u32 v2, v3  }
0x4e: {  	v2 =	vperm.xlane v2, v0;
	_ =	sdelay $0x1  }
0x4f: {  	v2 =	vadd.s32 v1, v2;
	_ =	sdelay $0x4  }
0x50: {  	[tilespmem:s21], [sflag:$0x2] =	stream.indirect_vreg.gather [hbm4b:s2+s4], $0x80, v2, vm0, $0xb8;
	[tilespmem:$0x1C000] =	vst v63  }
0x51: {  	_ = 	snop  }
0x52: {  	[tilespmem:s29], [sflag:$0x2] =	stream.indirect_vreg.gather [hbm4b:s6+s4], $0x80, v2, vm0, $0xb8;
	[tilespmem:$0x1C000] =	vst v63  }
0x53: {  	s25 =	simm.s32 $0xD000  }
0x54: {  	[tilespmem:s25], [sflag:$0x2] =	stream.indirect_vreg.gather [hbm4b:s7+s4], $0x80, v2, vm0, $0xb8;
	[tilespmem:$0x1C000] =	vst v63  }
0x55: {  	s29 =	simm.s32 $0xD800  }
0x56: {  	[tilespmem:s29], [sflag:$0x2] =	stream.indirect_vreg.gather [hbm4b:s31+s4], $0x80, v2, vm0, $0xb8;
	[tilespmem:$0x1C000] =	vst v63  }
0x57: {  	s30 =	simm.s32 $0xE000  }
0x58: {  	[tilespmem:s30], [sflag:$0x2] =	stream.indirect_vreg.gather [hbm4b:s15+s4], $0x80, v2, vm0, $0xb8;
	[tilespmem:$0x1C000] =	vst v63  }
0x59: {  	s1 =	simm.s32 $0xE800  }
0x5a: {  	[tilespmem:s1], [sflag:$0x2] =	stream.indirect_vreg.gather [hbm4b:s11+s4], $0x80, v2, vm0, $0xb8;
	[tilespmem:$0x1C000] =	vst v63  }
0x5b: {  	s3 =	simm.s32 $0xF000  }
0x5c: {  	[tilespmem:s3], [sflag:$0x2] =	stream.indirect_vreg.gather [hbm4b:s12+s4], $0x80, v2, vm0, $0xb8;
	[tilespmem:$0x1C000] =	vst v63  }
0x5d: {  	s5 =	simm.s32 $0xF800  }
0x5e: {  	[tilespmem:s5], [sflag:$0x2] =	stream.indirect_vreg.gather [hbm4b:s13+s4], $0x80, v2, vm0, $0xb8;
	[tilespmem:$0x1C000] =	vst v63  }
0x5f: {  	s8 =	simm.s32 $0x10000  }
0x60: {  	[tilespmem:s8], [sflag:$0x2] =	stream.indirect_vreg.gather [hbm4b:s14+s4], $0x80, v2, vm0, $0xb8;
	[tilespmem:$0x1C000] =	vst v63  }
0x61: {  	s10 =	simm.s32 $0x10800  }
0x62: {  	[tilespmem:s10], [sflag:$0x2] =	stream.indirect_vreg.gather [hbm4b:s26+s4], $0x80, v2, vm0, $0xb8;
	[tilespmem:$0x1C000] =	vst v63  }
0x63: {  	s21 =	simm.s32 $0x11000  }
0x64: {  	[tilespmem:s21], [sflag:$0x2] =	stream.indirect_vreg.gather [hbm4b:s16+s4], $0x80, v2, vm0, $0xb8;
	[tilespmem:$0x1C000] =	vst v63  }
0x65: {  	s23 =	simm.s32 $0x11800  }
0x66: {  	[tilespmem:s23], [sflag:$0x2] =	stream.indirect_vreg.gather [hbm4b:s17+s4], $0x80, v2, vm0, $0xb8;
	[tilespmem:$0x1C000] =	vst v63  }
0x67: {  	s24 =	simm.s32 $0x12000  }
0x68: {  	[tilespmem:s24], [sflag:$0x2] =	stream.indirect_vreg.gather [hbm4b:s28+s4], $0x80, v2, vm0, $0xb8;
	[tilespmem:$0x1C000] =	vst v63  }
0x69: {  	s0 =	simm.s32 $0x200;
	s25 =	simm.s32 $0x12800  }
0x6a: {  	[tilespmem:s25], [sflag:$0x2] =	stream.indirect_vreg.gather [hbm4b:s18+s4], $0x80, v2, vm0, $0xb8;
	[tilespmem:$0x1C000] =	vst v63  }
0x6b: {  	s29 =	simm.s32 $0x13000;
	s30 =	simm.s32 $0x13800;
	s1 =	simm.s32 $0x40  }
0x6c: {  	[tilespmem:s29], [sflag:$0x2] =	stream.indirect_vreg.gather [hbm4b:s19+s4], $0x80, v2, vm0, $0xb8;
	[tilespmem:$0x1C000] =	vst v63  }
0x6d: {  	s3 =	simm.s32 $0x0;
	s5 =	simm.s32 $0x0;
	s8 =	smov.u32 s7  }
0x6e: {  	[tilespmem:s30], [sflag:$0x2] =	stream.indirect_vreg.gather [hbm4b:s20+s4], $0x80, v2, vm0, $0xb8;
	[tilespmem:$0x1C000] =	vst v63  }
.LBB2_2:
0x6f: {  	s7 =	simm.s32 $0x1  }
0x70: {  	_ =	swait.ge [sflag:s7], $0x8000  }
0x71: {  	s30 =	sand.u32 $0x40, s5;
	s25 =	rddreg [dreg:$0x4]  }
0x72: {  	s23 =	simm.s32 $0x4000;
	p0 =	seq.s32 s3, $0x0;
	s25 =	sadd.s32 s3, s25  }
0x73: {  	s30 =	sadd.s32 s22, s30;
	[sflag:s7] =	ssyncset.done $0x0;
	s24 =	sand.u32 $0xFFFE000, s25  }
0x74: {  	[sflag:s7] =	ssyncadd.s32 $0xFFFF8000;
	s7 =	simm.s32 $0x400;
	s24 =	sadd.s32 s24, s30  }
0x75: {  	[hbm4b:s24+s9] =	stream.strided.scatter [tilespmem:s23], [sflag:$0x4], $0x8000, s7, s9, $0x38;
	[tilespmem:$0x1C000] =	vst v63  }
0x76: {  	s24 =	simm.s32 @!p0 $0x6  }
0x77: {  	_ =	swait.ge @!p0 [sflag:s24], $0x8000  }
0x78: {  	[sflag:s24] =	ssyncset.done @!p0 $0x0  }
0x79: {  	[sflag:s24] =	ssyncadd.s32 @!p0 $0xFFFF8000  }
0x7a: {  	v2 =	vld.msk [tilespmem:s0+$0xFFFFFF00], $0xf;
	_ =	sdelay $0x4  }
0x7b: {  	v3 =	vshll.u32 v2, $0x6  }
0x7c: {  	v2 =	vand.u32 $0x7, v2;
	v3 =	vand.u32 $0xFFFFFE00, v3  }
0x7d: {  	v2 =	vor.u32 v2, v3  }
0x7e: {  	v2 =	vperm.xlane v2, v0;
	_ =	sdelay $0x1  }
0x7f: {  	v2 =	vadd.s32 v1, v2;
	_ =	sdelay $0x3  }
0x80: {  	s10 =	simm.s32 $0x14000  }
0x81: {  	[tilespmem:s10], [sflag:$0x3] =	stream.indirect_vreg.gather [hbm4b:s2+s4], $0x80, v2, vm0, $0xb8;
	[tilespmem:$0x1C000] =	vst v63  }
0x82: {  	s24 =	rddreg [dreg:$0x5]  }
0x83: {  	[tilespmem:s24], [sflag:$0x3] =	stream.indirect_vreg.gather [hbm4b:s6+s4], $0x80, v2, vm0, $0xb8;
	[tilespmem:$0x1C000] =	vst v63  }
0x84: {  	s21 =	smov.u32 s22;
	s22 =	smov.u32 s2;
	s2 =	rddreg [dreg:$0x6]  }
0x85: {  	[tilespmem:s2], [sflag:$0x3] =	stream.indirect_vreg.gather [hbm4b:s8+s4], $0x80, v2, vm0, $0xb8;
	[tilespmem:$0x1C000] =	vst v63  }
0x86: {  	s10 =	rddreg [dreg:$0x7]  }
0x87: {  	[tilespmem:s10], [sflag:$0x3] =	stream.indirect_vreg.gather [hbm4b:s31+s4], $0x80, v2, vm0, $0xb8;
	[tilespmem:$0x1C000] =	vst v63  }
0x88: {  	s2 =	rddreg [dreg:$0x8]  }
0x89: {  	[tilespmem:s2], [sflag:$0x3] =	stream.indirect_vreg.gather [hbm4b:s15+s4], $0x80, v2, vm0, $0xb8;
	[tilespmem:$0x1C000] =	vst v63  }
0x8a: {  	s10 =	rddreg [dreg:$0x9]  }
0x8b: {  	[tilespmem:s10], [sflag:$0x3] =	stream.indirect_vreg.gather [hbm4b:s11+s4], $0x80, v2, vm0, $0xb8;
	[tilespmem:$0x1C000] =	vst v63  }
0x8c: {  	s2 =	rddreg [dreg:$0xa]  }
0x8d: {  	[tilespmem:s2], [sflag:$0x3] =	stream.indirect_vreg.gather [hbm4b:s12+s4], $0x80, v2, vm0, $0xb8;
	[tilespmem:$0x1C000] =	vst v63  }
0x8e: {  	s10 =	rddreg [dreg:$0xb]  }
0x8f: {  	[tilespmem:s10], [sflag:$0x3] =	stream.indirect_vreg.gather [hbm4b:s13+s4], $0x80, v2, vm0, $0xb8;
	[tilespmem:$0x1C000] =	vst v63  }
0x90: {  	s2 =	rddreg [dreg:$0xc]  }
0x91: {  	[tilespmem:s2], [sflag:$0x3] =	stream.indirect_vreg.gather [hbm4b:s14+s4], $0x80, v2, vm0, $0xb8;
	[tilespmem:$0x1C000] =	vst v63  }
0x92: {  	s10 =	rddreg [dreg:$0xd]  }
0x93: {  	[tilespmem:s10], [sflag:$0x3] =	stream.indirect_vreg.gather [hbm4b:s26+s4], $0x80, v2, vm0, $0xb8;
	[tilespmem:$0x1C000] =	vst v63  }
0x94: {  	s2 =	rddreg [dreg:$0xe]  }
0x95: {  	[tilespmem:s2], [sflag:$0x3] =	stream.indirect_vreg.gather [hbm4b:s16+s4], $0x80, v2, vm0, $0xb8;
	[tilespmem:$0x1C000] =	vst v63  }
0x96: {  	s10 =	rddreg [dreg:$0xf]  }
0x97: {  	[tilespmem:s10], [sflag:$0x3] =	stream.indirect_vreg.gather [hbm4b:s17+s4], $0x80, v2, vm0, $0xb8;
	[tilespmem:$0x1C000] =	vst v63  }
0x98: {  	s2 =	rddreg [dreg:$0x10]  }
0x99: {  	[tilespmem:s2], [sflag:$0x3] =	stream.indirect_vreg.gather [hbm4b:s28+s4], $0x80, v2, vm0, $0xb8;
	[tilespmem:$0x1C000] =	vst v63  }
0x9a: {  	s10 =	rddreg [dreg:$0x11]  }
0x9b: {  	[tilespmem:s10], [sflag:$0x3] =	stream.indirect_vreg.gather [hbm4b:s18+s4], $0x80, v2, vm0, $0xb8;
	[tilespmem:$0x1C000] =	vst v63  }
0x9c: {  	s2 =	rddreg [dreg:$0x12]  }
0x9d: {  	[tilespmem:s2], [sflag:$0x3] =	stream.indirect_vreg.gather [hbm4b:s19+s4], $0x80, v2, vm0, $0xb8;
	[tilespmem:$0x1C000] =	vst v63  }
0x9e: {  	s10 =	rddreg [dreg:$0x13]  }
0x9f: {  	[tilespmem:s10], [sflag:$0x3] =	stream.indirect_vreg.gather [hbm4b:s20+s4], $0x80, v2, vm0, $0xb8;
	[tilespmem:$0x1C000] =	vst v63  }
0xa0: {  	s29 =	simm.s32 $0x2;
	s24 =	sadd.s32 $0x1000, s25;
	s10 =	sand.u32 $0x40, s1  }
0xa1: {  	s2 =	sand.u32 $0xFFFE000, s24;
	_ =	swait.ge [sflag:s29], $0x8000;
	s24 =	sadd.s32 s21, s10  }
0xa2: {  	[sflag:s29] =	ssyncset.done $0x0;
	s2 =	sadd.s32 s2, s24  }
0xa3: {  	s24 =	simm.s32 $0x4;
	[sflag:s29] =	ssyncadd.s32 $0xFFFF8000;
	s29 =	simm.s32 $0xC000  }
0xa4: {  	[hbm4b:s2+s9] =	stream.strided.scatter [tilespmem:s29], [sflag:$0x5], $0x8000, s7, s9, $0x38;
	[tilespmem:$0x1C000] =	vst v63  }
0xa5: {  	_ =	swait.ge [sflag:s24], $0x8000  }
0xa6: {  	[sflag:s24] =	ssyncset.done $0x0  }
0xa7: {  	[sflag:s24] =	ssyncadd.s32 $0xFFFF8000  }
0xa8: {  	v2 =	vld.msk [tilespmem:s0+$0xFFFFFF80], $0xf;
	_ =	sdelay $0x4  }
0xa9: {  	v3 =	vshll.u32 v2, $0x6  }
0xaa: {  	v2 =	vand.u32 $0x7, v2;
	v3 =	vand.u32 $0xFFFFFE00, v3  }
0xab: {  	v2 =	vor.u32 v2, v3  }
0xac: {  	v2 =	vperm.xlane v2, v0;
	_ =	sdelay $0x1  }
0xad: {  	v2 =	vadd.s32 v1, v2;
	_ =	sdelay $0x4  }
0xae: {  	[tilespmem:s23], [sflag:$0x1] =	stream.indirect_vreg.gather [hbm4b:s22+s4], $0x80, v2, vm0, $0xb8;
	[tilespmem:$0x1C000] =	vst v63  }
0xaf: {  	s23 =	simm.s32 $0x4800  }
0xb0: {  	[tilespmem:s23], [sflag:$0x1] =	stream.indirect_vreg.gather [hbm4b:s6+s4], $0x80, v2, vm0, $0xb8;
	[tilespmem:$0x1C000] =	vst v63  }
0xb1: {  	s10 =	simm.s32 $0x5000  }
0xb2: {  	[tilespmem:s10], [sflag:$0x1] =	stream.indirect_vreg.gather [hbm4b:s8+s4], $0x80, v2, vm0, $0xb8;
	[tilespmem:$0x1C000] =	vst v63  }
0xb3: {  	s10 =	simm.s32 $0x5800  }
0xb4: {  	[tilespmem:s10], [sflag:$0x1] =	stream.indirect_vreg.gather [hbm4b:s31+s4], $0x80, v2, vm0, $0xb8;
	[tilespmem:$0x1C000] =	vst v63  }
0xb5: {  	s10 =	simm.s32 $0x6000  }
0xb6: {  	[tilespmem:s10], [sflag:$0x1] =	stream.indirect_vreg.gather [hbm4b:s15+s4], $0x80, v2, vm0, $0xb8;
	[tilespmem:$0x1C000] =	vst v63  }
0xb7: {  	s10 =	simm.s32 $0x6800  }
0xb8: {  	[tilespmem:s10], [sflag:$0x1] =	stream.indirect_vreg.gather [hbm4b:s11+s4], $0x80, v2, vm0, $0xb8;
	[tilespmem:$0x1C000] =	vst v63  }
0xb9: {  	s10 =	simm.s32 $0x7000  }
0xba: {  	[tilespmem:s10], [sflag:$0x1] =	stream.indirect_vreg.gather [hbm4b:s12+s4], $0x80, v2, vm0, $0xb8;
	[tilespmem:$0x1C000] =	vst v63  }
0xbb: {  	s10 =	simm.s32 $0x7800  }
0xbc: {  	[tilespmem:s10], [sflag:$0x1] =	stream.indirect_vreg.gather [hbm4b:s13+s4], $0x80, v2, vm0, $0xb8;
	[tilespmem:$0x1C000] =	vst v63  }
0xbd: {  	s10 =	simm.s32 $0x8000  }
0xbe: {  	[tilespmem:s10], [sflag:$0x1] =	stream.indirect_vreg.gather [hbm4b:s14+s4], $0x80, v2, vm0, $0xb8;
	[tilespmem:$0x1C000] =	vst v63  }
0xbf: {  	s10 =	simm.s32 $0x8800  }
0xc0: {  	[tilespmem:s10], [sflag:$0x1] =	stream.indirect_vreg.gather [hbm4b:s26+s4], $0x80, v2, vm0, $0xb8;
	[tilespmem:$0x1C000] =	vst v63  }
0xc1: {  	s10 =	simm.s32 $0x9000  }
0xc2: {  	[tilespmem:s10], [sflag:$0x1] =	stream.indirect_vreg.gather [hbm4b:s16+s4], $0x80, v2, vm0, $0xb8;
	[tilespmem:$0x1C000] =	vst v63  }
0xc3: {  	s10 =	simm.s32 $0x9800  }
0xc4: {  	[tilespmem:s10], [sflag:$0x1] =	stream.indirect_vreg.gather [hbm4b:s17+s4], $0x80, v2, vm0, $0xb8;
	[tilespmem:$0x1C000] =	vst v63  }
0xc5: {  	s10 =	simm.s32 $0xA000  }
0xc6: {  	[tilespmem:s10], [sflag:$0x1] =	stream.indirect_vreg.gather [hbm4b:s28+s4], $0x80, v2, vm0, $0xb8;
	[tilespmem:$0x1C000] =	vst v63  }
0xc7: {  	s10 =	simm.s32 $0xA800  }
0xc8: {  	[tilespmem:s10], [sflag:$0x1] =	stream.indirect_vreg.gather [hbm4b:s18+s4], $0x80, v2, vm0, $0xb8;
	[tilespmem:$0x1C000] =	vst v63  }
0xc9: {  	s10 =	simm.s32 $0xB000  }
0xca: {  	[tilespmem:s10], [sflag:$0x1] =	stream.indirect_vreg.gather [hbm4b:s19+s4], $0x80, v2, vm0, $0xb8;
	[tilespmem:$0x1C000] =	vst v63  }
0xcb: {  	s10 =	simm.s32 $0xB800  }
0xcc: {  	[tilespmem:s10], [sflag:$0x1] =	stream.indirect_vreg.gather [hbm4b:s20+s4], $0x80, v2, vm0, $0xb8;
	[tilespmem:$0x1C000] =	vst v63  }
0xcd: {  	s10 =	smov.u32 s20  }
0xce: {  	s20 =	smov.u32 s19;
	s19 =	smov.u32 s18;
	s18 =	simm.s32 $0x3  }
0xcf: {  	s25 =	sadd.s32 $0x2000, s25;
	_ =	swait.ge [sflag:s18], $0x8000  }
0xd0: {  	s2 =	sand.u32 $0x1FFE000, s25;
	s25 =	simm.s32 $0x5;
	[sflag:s18] =	ssyncset.done $0x0  }
0xd1: {  	s2 =	sadd.s32 s2, s30;
	s30 =	simm.s32 $0x14000;
	[sflag:s18] =	ssyncadd.s32 $0xFFFF8000  }
0xd2: {  	[hbm4b:s2+s9] =	stream.strided.scatter [tilespmem:s30], [sflag:$0x6], $0x8000, s7, s9, $0x38;
	[tilespmem:$0x1C000] =	vst v63  }
0xd3: {  	_ =	swait.ge [sflag:s25], $0x8000  }
0xd4: {  	[sflag:s25] =	ssyncset.done $0x0  }
0xd5: {  	[sflag:s25] =	ssyncadd.s32 $0xFFFF8000  }
0xd6: {  	v2 =	vld.msk [tilespmem:s0+$0x0], $0xf;
	_ =	sdelay $0x4  }
0xd7: {  	v3 =	vshll.u32 v2, $0x6  }
0xd8: {  	v2 =	vand.u32 $0x7, v2;
	v3 =	vand.u32 $0xFFFFFE00, v3  }
0xd9: {  	v2 =	vor.u32 v2, v3  }
0xda: {  	v2 =	vperm.xlane v2, v0;
	_ =	sdelay $0x1  }
0xdb: {  	v2 =	vadd.s32 v1, v2;
	_ =	sdelay $0x3  }
0xdc: {  	s2 =	smov.u32 s22  }
0xdd: {  	[tilespmem:s29], [sflag:$0x2] =	stream.indirect_vreg.gather [hbm4b:s2+s4], $0x80, v2, vm0, $0xb8;
	[tilespmem:$0x1C000] =	vst v63  }
0xde: {  	s29 =	simm.s32 $0xC800  }
0xdf: {  	[tilespmem:s29], [sflag:$0x2] =	stream.indirect_vreg.gather [hbm4b:s6+s4], $0x80, v2, vm0, $0xb8;
	[tilespmem:$0x1C000] =	vst v63  }
0xe0: {  	s30 =	simm.s32 $0xD000  }
0xe1: {  	[tilespmem:s30], [sflag:$0x2] =	stream.indirect_vreg.gather [hbm4b:s8+s4], $0x80, v2, vm0, $0xb8;
	[tilespmem:$0x1C000] =	vst v63  }
0xe2: {  	s18 =	smov.u32 s19;
	s7 =	simm.s32 $0xD800  }
0xe3: {  	[tilespmem:s7], [sflag:$0x2] =	stream.indirect_vreg.gather [hbm4b:s31+s4], $0x80, v2, vm0, $0xb8;
	[tilespmem:$0x1C000] =	vst v63  }
0xe4: {  	s19 =	smov.u32 s20;
	s20 =	smov.u32 s10;
	s10 =	simm.s32 $0xE000  }
0xe5: {  	[tilespmem:s10], [sflag:$0x2] =	stream.indirect_vreg.gather [hbm4b:s15+s4], $0x80, v2, vm0, $0xb8;
	[tilespmem:$0x1C000] =	vst v63  }
0xe6: {  	s25 =	simm.s32 $0xE800  }
0xe7: {  	[tilespmem:s25], [sflag:$0x2] =	stream.indirect_vreg.gather [hbm4b:s11+s4], $0x80, v2, vm0, $0xb8;
	[tilespmem:$0x1C000] =	vst v63  }
0xe8: {  	s30 =	simm.s32 $0xF000  }
0xe9: {  	[tilespmem:s30], [sflag:$0x2] =	stream.indirect_vreg.gather [hbm4b:s12+s4], $0x80, v2, vm0, $0xb8;
	[tilespmem:$0x1C000] =	vst v63  }
0xea: {  	s10 =	simm.s32 $0xF800  }
0xeb: {  	[tilespmem:s10], [sflag:$0x2] =	stream.indirect_vreg.gather [hbm4b:s13+s4], $0x80, v2, vm0, $0xb8;
	[tilespmem:$0x1C000] =	vst v63  }
0xec: {  	s25 =	simm.s32 $0x10000  }
0xed: {  	[tilespmem:s25], [sflag:$0x2] =	stream.indirect_vreg.gather [hbm4b:s14+s4], $0x80, v2, vm0, $0xb8;
	[tilespmem:$0x1C000] =	vst v63  }
0xee: {  	s30 =	simm.s32 $0x10800  }
0xef: {  	[tilespmem:s30], [sflag:$0x2] =	stream.indirect_vreg.gather [hbm4b:s26+s4], $0x80, v2, vm0, $0xb8;
	[tilespmem:$0x1C000] =	vst v63  }
0xf0: {  	s10 =	simm.s32 $0x11000  }
0xf1: {  	[tilespmem:s10], [sflag:$0x2] =	stream.indirect_vreg.gather [hbm4b:s16+s4], $0x80, v2, vm0, $0xb8;
	[tilespmem:$0x1C000] =	vst v63  }
0xf2: {  	s25 =	simm.s32 $0x11800  }
0xf3: {  	[tilespmem:s25], [sflag:$0x2] =	stream.indirect_vreg.gather [hbm4b:s17+s4], $0x80, v2, vm0, $0xb8;
	[tilespmem:$0x1C000] =	vst v63  }
0xf4: {  	s3 =	sadd.s32 $0x3000, s3;
	s30 =	simm.s32 $0x12000  }
0xf5: {  	[tilespmem:s30], [sflag:$0x2] =	stream.indirect_vreg.gather [hbm4b:s28+s4], $0x80, v2, vm0, $0xb8;
	[tilespmem:$0x1C000] =	vst v63  }
0xf6: {  	p0 =	sne.s32 s3, $0x7E000;
	s10 =	simm.s32 $0x12800  }
0xf7: {  	[tilespmem:s10], [sflag:$0x2] =	stream.indirect_vreg.gather [hbm4b:s18+s4], $0x80, v2, vm0, $0xb8;
	[tilespmem:$0x1C000] =	vst v63  }
.Ltmp0:
0xf8: {  	s5 =	sadd.s32 $0x40, s5;
	s1 =	sadd.s32 $0xC0, s1;
	(pc) =	sbr.rel @p0 .LBB2_2-.Ltmp0, $4  }
0xf9: {  	s24 =	simm.s32 $0x4000;
	s22 =	smov.u32 s21;
	s25 =	simm.s32 $0x13000  }
0xfa: {  	[tilespmem:s25], [sflag:$0x2] =	stream.indirect_vreg.gather [hbm4b:s19+s4], $0x80, v2, vm0, $0xb8;
	[tilespmem:$0x1C000] =	vst v63  }
0xfb: {  	s21 =	simm.s32 $0xC000;
	s0 =	sadd.s32 $0x180, s0;
	s30 =	simm.s32 $0x13800  }
0xfc: {  	[tilespmem:s30], [sflag:$0x2] =	stream.indirect_vreg.gather [hbm4b:s20+s4], $0x80, v2, vm0, $0xb8;
	[tilespmem:$0x1C000] =	vst v63  }
0xfd: {  	s0 =	simm.s32 $0x1  }
0xfe: {  	_ =	swait.ge [sflag:s0], $0x8000  }
0xff: {  	s1 =	simm.s32 $0x400;
	s3 =	simm.s32 $0x200;
	[sflag:s0] =	ssyncset.done $0x0  }
0x100: {  	s10 =	simm.s32 $0x2;
	s7 =	rddreg [dreg:$0x15];
	[sflag:s0] =	ssyncadd.s32 $0xFFFF8000  }
0x101: {  	[hbm4b:s7+s3] =	stream.strided.scatter [tilespmem:s24], [sflag:$0x4], $0x8000, s1, s3, $0x38;
	[tilespmem:$0x1C000] =	vst v63  }
0x102: {  	_ =	swait.ge [sflag:s10], $0x8000  }
0x103: {  	[sflag:s10] =	ssyncset.done $0x0  }
0x104: {  	s25 =	rddreg [dreg:$0x16];
	[sflag:s10] =	ssyncadd.s32 $0xFFFF8000  }
0x105: {  	[hbm4b:s25+s3] =	stream.strided.scatter [tilespmem:s21], [sflag:$0x5], $0x8000, s1, s3, $0x38;
	[tilespmem:$0x1C000] =	vst v63  }
0x106: {  	s3 =	simm.s32 $0x6  }
0x107: {  	_ =	swait.ge [sflag:s3], $0x8000  }
0x108: {  	[sflag:s3] =	ssyncset.done $0x0  }
0x109: {  	s5 =	simm.s32 $0x4;
	[sflag:s3] =	ssyncadd.s32 $0xFFFF8000  }
0x10a: {  	_ =	swait.ge [sflag:s5], $0x8000  }
0x10b: {  	[sflag:s5] =	ssyncset.done $0x0  }
0x10c: {  	s7 =	simm.s32 $0x5;
	[sflag:s5] =	ssyncadd.s32 $0xFFFF8000  }
0x10d: {  	_ =	swait.ge [sflag:s7], $0x8000  }
0x10e: {  	s10 =	rddreg [dreg:$0x18]  }
0x10f: {  	s25 =	rddreg [dreg:$0x17];
	s10 =	sadd.s32 $0x1, s10  }
0x110: {  	p0 =	sne.s32 s10, s25  }
.Ltmp1:
0x111: {  	_ = 	snop;
	(pc) =	sbr.rel @p0 .LBB2_1-.Ltmp1, $4  }
0x112: {  	_ = 	snop  }
0x113: {  	s30 =	simm.s32 $0x7800;
	s1 =	simm.s32 $0x6800  }
0x114: {  	s3 =	simm.s32 $0x5800;
	s5 =	simm.s32 $0x6000;
	[sflag:s7] =	ssyncset.done $0x0  }
0x115: {  	[sflag:s7] =	ssyncadd.s32 $0xFFFF8000;
	s7 =	smov.u32 s8;
	s25 =	simm.s32 $0x7000  }
0x116: {  	_ =	sfence.sel $0x180000  }
0x117: {  	[bflag:$0x0] =	sbarrier.arrive $0xFFFF  }
0x118: {  	_ =	strace $0x90000047  }
0x119: {  	s0 =	stileid.u32;
	[bflag:$0x2] =	sbarrier.arrive $0xFFFF  }
0x11a: {  	p0 =	sne.s32 s0, $0x0;
	s0 =	rddreg [dreg:$0x3]  }
0x11b: {  	s0 =	sadd.s32 @!p0 $0x100000, s0  }
0x11c: {  	[sflag:s0] =	ssyncadd.tile.s32 @!p0 $0x1;
	_ =	shalt  }
.Lfunc_end2:
_tile_overlayer_lowered:
.L_overlay_start_2:
0x11d: {  	(tag) =	ssettag $0x2  }
0x11e: {  	s0 =	rddreg [dreg:$0x0];
	s2 =	stileid.u32  }
0x11f: {  	s1 =	rddreg [dreg:$0x1];
	p0 =	sne.s32 s2, $0x0  }
0x120: {  	s3 =	rddreg [dreg:$0x2];
	[bflag:$0x3] =	sbarrier.arrive $0xFFFF;
	s2 =	simm.s32 @!p0 $0x1C07  }
0x121: {  	[timem:s3], [sflag:s2] =	dma.local @!p0 [hbm:s0], s1  }
0x122: {  	s0 =	simm.s32 @!p0 $0x7  }
0x123: {  	_ =	swait.ge @!p0 [sflag:s0], s1  }
0x124: {  	s1 =	ssub.s32 @!p0 $0x0, s1;
	[sflag:s0] =	ssyncset.done @!p0 $0x0  }
0x125: {  	[sflag:s0] =	ssyncadd.s32 @!p0 s1  }
0x126: {  	[bflag:$0x3] =	sbarrier.arrive $0xFFFF  }
0x127: {  	_ =	shalt  }

</sc_bundles>
